<compile_context>
chip_gen: v7x
topology: tpu7x:2x2x1
jax: 0.10.2.dev20260603
libtpu: 0.0.44.dev20260713+nightly
codegen_flags: <defaults>
</compile_context>

<pallas_src>
import jax
import jax.numpy as jnp
from jax import lax
from jax.experimental import pallas as pl
from jax.experimental.pallas import tpu as pltpu
from jax.experimental.pallas import tpu_sc as plsc

N_CLS = 1000
NPAD = 1024
FEAT_DIM = 128
BATCH = 16384
NW = 32
ROWS_PER_W = BATCH // NW
CHUNK = 128
NCHUNK = ROWS_PER_W // CHUNK
CNT_W = 16
RPT = NPAD // 16
PROTO_M = 0.95
INV_TEMP = 10.0


def _fill2d(ref, nrows, ncols, value, dtype, unroll=8):
    vec = jnp.full((16,), value, dtype=dtype)

    def body(i, _):
        for u in range(unroll):
            for k in range(ncols // 16):
                ref[i * unroll + u, pl.ds(k * 16, 16)] = vec
        return 0

    lax.fori_loop(0, nrows // unroll, body, 0)


def _sc_body(feats_hbm, lbls_hbm, out_f, out_c,
             rows_v, lbl_v, ones_v, zf_v, zc_v, acc_f, acc_c,
             ld0, ld1, ld2, ld3, sem_z, sem_lb, sem_sc):
    c = lax.axis_index("c")
    s = lax.axis_index("s")
    wid = c * 16 + s

    lbl_ld = pltpu.async_copy(lbls_hbm.at[wid], lbl_v, sem_lb)
    lsems = [ld0, ld1, ld2, ld3]
    loads = [
        pltpu.async_copy(
            feats_hbm.at[wid, pl.ds(j * CHUNK, CHUNK)],
            rows_v.at[pl.ds(j * CHUNK, CHUNK)], lsems[j])
        for j in range(NCHUNK)
    ]

    _fill2d(zf_v, RPT, FEAT_DIM, 0.0, jnp.float32)
    _fill2d(zc_v, RPT, CNT_W, 0.0, jnp.float32)
    _fill2d(ones_v, CHUNK, CNT_W, 1.0, jnp.float32)
    z1 = pltpu.async_copy(zf_v, acc_f.at[pl.ds(s * RPT, RPT)], sem_z)
    z2 = pltpu.async_copy(zc_v, acc_c.at[pl.ds(s * RPT, RPT)], sem_z)
    z1.wait()
    z2.wait()
    lbl_ld.wait()

    plsc.subcore_barrier()

    scats = []
    for j in range(NCHUNK):
        loads[j].wait()
        scats.append(pltpu.async_copy(
            rows_v.at[pl.ds(j * CHUNK, CHUNK)],
            acc_f.at[lbl_v.at[j]], sem_sc, add=True))
        scats.append(pltpu.async_copy(
            ones_v, acc_c.at[lbl_v.at[j]], sem_sc, add=True))
    for d in scats:
        d.wait()

    plsc.subcore_barrier()

    p1 = pltpu.async_copy(acc_f.at[pl.ds(s * RPT, RPT)],
                          out_f.at[c, pl.ds(s * RPT, RPT)], sem_z)
    p2 = pltpu.async_copy(acc_c.at[pl.ds(s * RPT, RPT)],
                          out_c.at[c, pl.ds(s * RPT, RPT)], sem_z)
    p1.wait()
    p2.wait()


@jax.jit
def _sc_segsum(feats_r, lbls_r):
    mesh = plsc.VectorSubcoreMesh(core_axis_name="c", subcore_axis_name="s")
    return pl.kernel(
        _sc_body,
        out_type=(
            jax.ShapeDtypeStruct((2, NPAD, FEAT_DIM), jnp.float32),
            jax.ShapeDtypeStruct((2, NPAD, CNT_W), jnp.float32),
        ),
        mesh=mesh,
        scratch_types=[
            pltpu.VMEM((ROWS_PER_W, FEAT_DIM), jnp.float32),
            pltpu.VMEM((NCHUNK, CHUNK), jnp.int32),
            pltpu.VMEM((CHUNK, CNT_W), jnp.float32),
            pltpu.VMEM((RPT, FEAT_DIM), jnp.float32),
            pltpu.VMEM((RPT, CNT_W), jnp.float32),
            pltpu.VMEM_SHARED((NPAD, FEAT_DIM), jnp.float32),
            pltpu.VMEM_SHARED((NPAD, CNT_W), jnp.float32),
            pltpu.SemaphoreType.DMA,
            pltpu.SemaphoreType.DMA,
            pltpu.SemaphoreType.DMA,
            pltpu.SemaphoreType.DMA,
            pltpu.SemaphoreType.DMA,
            pltpu.SemaphoreType.DMA,
            pltpu.SemaphoreType.DMA,
        ],
    )(feats_r, lbls_r)


def _tc_body(pf_ref, pc_ref, proto_ref, out_ref):
    fs = pf_ref[0] + pf_ref[1]
    cnt = pc_ref[0, :, 0:1] + pc_ref[1, :, 0:1]
    protos = jnp.concatenate(
        [proto_ref[...], jnp.zeros((NPAD - N_CLS, FEAT_DIM), jnp.float32)],
        axis=0)

    safe = jnp.maximum(cnt, 1.0)
    mean = fs / safe
    blended = protos * PROTO_M + mean * (1.0 - PROTO_M)
    norm = jnp.sqrt(jnp.sum(blended * blended, axis=1, keepdims=True))
    bn = blended / jnp.maximum(norm, 1e-12)
    upd = jnp.where(cnt > 0.0, bn, protos)

    logits = lax.dot_general(
        upd, upd, (((1,), (1,)), ((), ())),
        preferred_element_type=jnp.float32) * INV_TEMP

    row = lax.broadcasted_iota(jnp.int32, (NPAD, NPAD), 0)
    col = lax.broadcasted_iota(jnp.int32, (NPAD, NPAD), 1)
    valid = (row < N_CLS) & (col < N_CLS) & (row != col)
    e = jnp.where(valid, jnp.exp(logits), 0.0)
    rowsum = jnp.sum(e, axis=1, keepdims=True)

    rvec = lax.broadcasted_iota(jnp.int32, (NPAD, 1), 0)
    live = rvec < N_CLS
    mpn = jnp.log(jnp.where(live, rowsum, 1.0) / float(N_CLS - 1))
    loss = jnp.sum(jnp.where(live, mpn, 0.0)) / float(N_CLS)
    out_ref[0, 0] = loss


@jax.jit
def _tc_loss(part_f, part_c, protos):
    return pl.pallas_call(
        _tc_body,
        out_shape=jax.ShapeDtypeStruct((1, 1), jnp.float32),
        in_specs=[
            pl.BlockSpec(memory_space=pltpu.VMEM),
            pl.BlockSpec(memory_space=pltpu.VMEM),
            pl.BlockSpec(memory_space=pltpu.VMEM),
        ],
        out_specs=pl.BlockSpec(memory_space=pltpu.SMEM),
    )(part_f, part_c, protos)


def kernel(features, labels, prototypes):
    labels = labels.astype(jnp.int32)
    feats_r = features.reshape(NW, ROWS_PER_W, FEAT_DIM)
    lbls_r = labels.reshape(NW, NCHUNK, CHUNK)
    part_f, part_c = _sc_segsum(feats_r, lbls_r)
    loss = _tc_loss(part_f, part_c, prototypes)
    return loss[0, 0]

# --- scband reference (transcript-rebuilt; emitter-appended) ---
"""Pipeline reference for scband-dis-loss-13829794693608 (READ-ONLY COPY).

The authoritative reference and input builder live on the scoring server;
editing this copy changes nothing except your own understanding.
"""

import jax, jax.numpy as jnp
import numpy as np

N_CLS = 1000
FEAT_DIM = 128
BATCH = 16384
PROTO_M = 0.95
TEMPERATURE = 0.1
BASE_TEMPERATURE = 0.1


def setup_inputs(seed: int = 0) -> dict:
    key = jax.random.key(seed)
    k1, k2, k3 = jax.random.split(key, 3)
    features = jax.random.normal(k1, (BATCH, FEAT_DIM), dtype=jnp.float32)
    labels = jax.random.randint(k2, (BATCH,), 0, N_CLS, dtype=jnp.int64)
    # EMA prototype buffer (initialized by init_class_prototypes in the torch code:
    # per-class feature means, L2-normalized). Modeled as a normalized random table.
    proto_raw = jax.random.normal(k3, (N_CLS, FEAT_DIM), dtype=jnp.float32)
    prototypes = proto_raw / jnp.maximum(
        jnp.linalg.norm(proto_raw, axis=1, keepdims=True), 1e-12)
    return {"features": features, "labels": labels, "prototypes": prototypes}


def reference(features, labels, prototypes):
    labels = labels.astype(jnp.int32)
    # --- EMA prototype update for classes present in the batch ---
    # (vectorized form of the per-unique-label loop in the torch code)
    counts = jax.ops.segment_sum(
        jnp.ones((features.shape[0],), dtype=jnp.float32), labels,
        num_segments=N_CLS)
    feat_sum = jax.ops.segment_sum(features, labels, num_segments=N_CLS)
    safe_counts = jnp.maximum(counts, 1.0)
    label_mean = feat_sum / safe_counts[:, None]
    present = counts > 0
    blended = prototypes * PROTO_M + label_mean * (1.0 - PROTO_M)
    blended_norm = blended / jnp.maximum(
        jnp.linalg.norm(blended, axis=1, keepdims=True), 1e-12)
    updated = jnp.where(present[:, None], blended_norm, prototypes)

    # --- dispersion loss over prototypes ---
    mask = 1.0 - jnp.eye(N_CLS, dtype=jnp.float32)
    logits = (updated @ updated.T) / TEMPERATURE
    mean_prob_neg = jnp.log((mask * jnp.exp(logits)).sum(axis=1) / mask.sum(axis=1))
    # torch code drops NaN entries before taking the mean
    loss = (TEMPERATURE / BASE_TEMPERATURE) * jnp.nanmean(mean_prob_neg)
    return loss

if __name__ == "__main__":
    import jax
    _d = setup_inputs()
    print(jax.jit(kernel)(*tuple(_d.values())))

</pallas_src>

<mosaic_0001>
#map = affine_map<(d0, d1) -> (0, 0, 0)>
module attributes {stable_mosaic.version = 14 : i64} {
  func.func @_sc_body(%arg0: i32, %arg1: i32, %arg2: memref<32x512x128xf32, #tpu.memory_space<hbm>>, %arg3: memref<32x4x128xi32, #tpu.memory_space<hbm>>, %arg4: memref<2x1024x128xf32, #tpu.memory_space<hbm>>, %arg5: memref<2x1024x16xf32, #tpu.memory_space<hbm>>, %arg6: memref<512x128xf32, #tpu.memory_space<vmem>>, %arg7: memref<4x128xi32, #tpu.memory_space<vmem>>, %arg8: memref<128x16xf32, #tpu.memory_space<vmem>>, %arg9: memref<64x128xf32, #tpu.memory_space<vmem>>, %arg10: memref<64x16xf32, #tpu.memory_space<vmem>>, %arg11: memref<1024x128xf32, #tpu.memory_space<vmem_shared>>, %arg12: memref<1024x16xf32, #tpu.memory_space<vmem_shared>>, %arg13: memref<!tpu.dma_semaphore, #tpu.memory_space<semaphore_mem>>, %arg14: memref<!tpu.dma_semaphore, #tpu.memory_space<semaphore_mem>>, %arg15: memref<!tpu.dma_semaphore, #tpu.memory_space<semaphore_mem>>, %arg16: memref<!tpu.dma_semaphore, #tpu.memory_space<semaphore_mem>>, %arg17: memref<!tpu.dma_semaphore, #tpu.memory_space<semaphore_mem>>, %arg18: memref<!tpu.dma_semaphore, #tpu.memory_space<semaphore_mem>>, %arg19: memref<!tpu.dma_semaphore, #tpu.memory_space<semaphore_mem>>) attributes {dimension_semantics = [#tpu.dimension_semantics<core_parallel>, #tpu.dimension_semantics<subcore_parallel>], iteration_bounds = array<i64: 2, 16>, scalar_prefetch = 0 : i64, scratch_operands = 14 : i64, tpu.core_type = #tpu.core_type<sc_vector_subcore>, window_params = [{transform_indices = #map}, {transform_indices = #map}, {transform_indices = #map}, {transform_indices = #map}]} {
    %mul3A = arith.constant 16 : i32
    %mul3A_0 = arith.muli %arg0, %mul3A : i32
    %add3A = arith.addi %mul3A_0, %arg1 : i32
    %dma_start3A = arith.constant 0 : i32
    %dma_start3A_1 = arith.constant 0 : i32
    %dma_start3A_2 = tpu.memref_slice %arg3[%add3A, %dma_start3A, %dma_start3A_1] : memref<32x4x128xi32, #tpu.memory_space<hbm>> -> memref<1x4x128xi32, #tpu.memory_space<hbm>>
    %dma_start3A_3 = tpu.memref_squeeze %dma_start3A_2 : memref<1x4x128xi32, #tpu.memory_space<hbm>> -> memref<4x128xi32, #tpu.memory_space<hbm>>
    %dma_start3A_4 = arith.constant 0 : i32
    %dma_start3A_5 = arith.constant 0 : i32
    %dma_start3A_6 = tpu.memref_slice %arg3[%add3A, %dma_start3A_4, %dma_start3A_5] : memref<32x4x128xi32, #tpu.memory_space<hbm>> -> memref<1x4x128xi32, #tpu.memory_space<hbm>>
    %dma_start3A_7 = tpu.memref_squeeze %dma_start3A_6 : memref<1x4x128xi32, #tpu.memory_space<hbm>> -> memref<4x128xi32, #tpu.memory_space<hbm>>
    tpu.enqueue_dma source(%dma_start3A_7 : memref<4x128xi32, #tpu.memory_space<hbm>>) target(%arg7 : memref<4x128xi32, #tpu.memory_space<vmem>>) target_semaphore(%arg18 : memref<!tpu.dma_semaphore, #tpu.memory_space<semaphore_mem>>)
    %dma_start3A_8 = arith.constant 0 : i32
    %dma_start3A_9 = arith.constant 0 : i32
    %dma_start3A_10 = tpu.memref_slice %arg6[%dma_start3A_8, %dma_start3A_9] : memref<512x128xf32, #tpu.memory_space<vmem>> -> memref<128x128xf32, #tpu.memory_space<vmem>>
    %dma_start3A_11 = arith.constant 0 : i32
    %dma_start3A_12 = arith.constant 0 : i32
    %dma_start3A_13 = tpu.memref_slice %arg2[%add3A, %dma_start3A_11, %dma_start3A_12] : memref<32x512x128xf32, #tpu.memory_space<hbm>> -> memref<1x128x128xf32, #tpu.memory_space<hbm>>
    %dma_start3A_14 = tpu.memref_squeeze %dma_start3A_13 : memref<1x128x128xf32, #tpu.memory_space<hbm>> -> memref<128x128xf32, #tpu.memory_space<hbm>>
    %dma_start3A_15 = arith.constant 0 : i32
    %dma_start3A_16 = arith.constant 0 : i32
    %dma_start3A_17 = tpu.memref_slice %arg6[%dma_start3A_15, %dma_start3A_16] : memref<512x128xf32, #tpu.memory_space<vmem>> -> memref<128x128xf32, #tpu.memory_space<vmem>>
    %dma_start3A_18 = arith.constant 0 : i32
    %dma_start3A_19 = arith.constant 0 : i32
    %dma_start3A_20 = tpu.memref_slice %arg2[%add3A, %dma_start3A_18, %dma_start3A_19] : memref<32x512x128xf32, #tpu.memory_space<hbm>> -> memref<1x128x128xf32, #tpu.memory_space<hbm>>
    %dma_start3A_21 = tpu.memref_squeeze %dma_start3A_20 : memref<1x128x128xf32, #tpu.memory_space<hbm>> -> memref<128x128xf32, #tpu.memory_space<hbm>>
    tpu.enqueue_dma source(%dma_start3A_21 : memref<128x128xf32, #tpu.memory_space<hbm>>) target(%dma_start3A_17 : memref<128x128xf32, #tpu.memory_space<vmem>>) target_semaphore(%arg13 : memref<!tpu.dma_semaphore, #tpu.memory_space<semaphore_mem>>)
    %dma_start3A_22 = arith.constant 128 : i32
    %dma_start3A_23 = arith.constant 0 : i32
    %dma_start3A_24 = tpu.memref_slice %arg6[%dma_start3A_22, %dma_start3A_23] : memref<512x128xf32, #tpu.memory_space<vmem>> -> memref<128x128xf32, #tpu.memory_space<vmem>>
    %dma_start3A_25 = arith.constant 128 : i32
    %dma_start3A_26 = arith.constant 0 : i32
    %dma_start3A_27 = tpu.memref_slice %arg2[%add3A, %dma_start3A_25, %dma_start3A_26] : memref<32x512x128xf32, #tpu.memory_space<hbm>> -> memref<1x128x128xf32, #tpu.memory_space<hbm>>
    %dma_start3A_28 = tpu.memref_squeeze %dma_start3A_27 : memref<1x128x128xf32, #tpu.memory_space<hbm>> -> memref<128x128xf32, #tpu.memory_space<hbm>>
    %dma_start3A_29 = arith.constant 128 : i32
    %dma_start3A_30 = arith.constant 0 : i32
    %dma_start3A_31 = tpu.memref_slice %arg6[%dma_start3A_29, %dma_start3A_30] : memref<512x128xf32, #tpu.memory_space<vmem>> -> memref<128x128xf32, #tpu.memory_space<vmem>>
    %dma_start3A_32 = arith.constant 128 : i32
    %dma_start3A_33 = arith.constant 0 : i32
    %dma_start3A_34 = tpu.memref_slice %arg2[%add3A, %dma_start3A_32, %dma_start3A_33] : memref<32x512x128xf32, #tpu.memory_space<hbm>> -> memref<1x128x128xf32, #tpu.memory_space<hbm>>
    %dma_start3A_35 = tpu.memref_squeeze %dma_start3A_34 : memref<1x128x128xf32, #tpu.memory_space<hbm>> -> memref<128x128xf32, #tpu.memory_space<hbm>>
    tpu.enqueue_dma source(%dma_start3A_35 : memref<128x128xf32, #tpu.memory_space<hbm>>) target(%dma_start3A_31 : memref<128x128xf32, #tpu.memory_space<vmem>>) target_semaphore(%arg14 : memref<!tpu.dma_semaphore, #tpu.memory_space<semaphore_mem>>)
    %dma_start3A_36 = arith.constant 256 : i32
    %dma_start3A_37 = arith.constant 0 : i32
    %dma_start3A_38 = tpu.memref_slice %arg6[%dma_start3A_36, %dma_start3A_37] : memref<512x128xf32, #tpu.memory_space<vmem>> -> memref<128x128xf32, #tpu.memory_space<vmem>>
    %dma_start3A_39 = arith.constant 256 : i32
    %dma_start3A_40 = arith.constant 0 : i32
    %dma_start3A_41 = tpu.memref_slice %arg2[%add3A, %dma_start3A_39, %dma_start3A_40] : memref<32x512x128xf32, #tpu.memory_space<hbm>> -> memref<1x128x128xf32, #tpu.memory_space<hbm>>
    %dma_start3A_42 = tpu.memref_squeeze %dma_start3A_41 : memref<1x128x128xf32, #tpu.memory_space<hbm>> -> memref<128x128xf32, #tpu.memory_space<hbm>>
    %dma_start3A_43 = arith.constant 256 : i32
    %dma_start3A_44 = arith.constant 0 : i32
    %dma_start3A_45 = tpu.memref_slice %arg6[%dma_start3A_43, %dma_start3A_44] : memref<512x128xf32, #tpu.memory_space<vmem>> -> memref<128x128xf32, #tpu.memory_space<vmem>>
    %dma_start3A_46 = arith.constant 256 : i32
    %dma_start3A_47 = arith.constant 0 : i32
    %dma_start3A_48 = tpu.memref_slice %arg2[%add3A, %dma_start3A_46, %dma_start3A_47] : memref<32x512x128xf32, #tpu.memory_space<hbm>> -> memref<1x128x128xf32, #tpu.memory_space<hbm>>
    %dma_start3A_49 = tpu.memref_squeeze %dma_start3A_48 : memref<1x128x128xf32, #tpu.memory_space<hbm>> -> memref<128x128xf32, #tpu.memory_space<hbm>>
    tpu.enqueue_dma source(%dma_start3A_49 : memref<128x128xf32, #tpu.memory_space<hbm>>) target(%dma_start3A_45 : memref<128x128xf32, #tpu.memory_space<vmem>>) target_semaphore(%arg15 : memref<!tpu.dma_semaphore, #tpu.memory_space<semaphore_mem>>)
    %dma_start3A_50 = arith.constant 384 : i32
    %dma_start3A_51 = arith.constant 0 : i32
    %dma_start3A_52 = tpu.memref_slice %arg6[%dma_start3A_50, %dma_start3A_51] : memref<512x128xf32, #tpu.memory_space<vmem>> -> memref<128x128xf32, #tpu.memory_space<vmem>>
    %dma_start3A_53 = arith.constant 384 : i32
    %dma_start3A_54 = arith.constant 0 : i32
    %dma_start3A_55 = tpu.memref_slice %arg2[%add3A, %dma_start3A_53, %dma_start3A_54] : memref<32x512x128xf32, #tpu.memory_space<hbm>> -> memref<1x128x128xf32, #tpu.memory_space<hbm>>
    %dma_start3A_56 = tpu.memref_squeeze %dma_start3A_55 : memref<1x128x128xf32, #tpu.memory_space<hbm>> -> memref<128x128xf32, #tpu.memory_space<hbm>>
    %dma_start3A_57 = arith.constant 384 : i32
    %dma_start3A_58 = arith.constant 0 : i32
    %dma_start3A_59 = tpu.memref_slice %arg6[%dma_start3A_57, %dma_start3A_58] : memref<512x128xf32, #tpu.memory_space<vmem>> -> memref<128x128xf32, #tpu.memory_space<vmem>>
    %dma_start3A_60 = arith.constant 384 : i32
    %dma_start3A_61 = arith.constant 0 : i32
    %dma_start3A_62 = tpu.memref_slice %arg2[%add3A, %dma_start3A_60, %dma_start3A_61] : memref<32x512x128xf32, #tpu.memory_space<hbm>> -> memref<1x128x128xf32, #tpu.memory_space<hbm>>
    %dma_start3A_63 = tpu.memref_squeeze %dma_start3A_62 : memref<1x128x128xf32, #tpu.memory_space<hbm>> -> memref<128x128xf32, #tpu.memory_space<hbm>>
    tpu.enqueue_dma source(%dma_start3A_63 : memref<128x128xf32, #tpu.memory_space<hbm>>) target(%dma_start3A_59 : memref<128x128xf32, #tpu.memory_space<vmem>>) target_semaphore(%arg16 : memref<!tpu.dma_semaphore, #tpu.memory_space<semaphore_mem>>)
    %broadcast_in_dim3A = arith.constant 0.000000e+00 : f32
    %broadcast_in_dim3A_64 = vector.broadcast %broadcast_in_dim3A : f32 to vector<16xf32>
    %scan3A = arith.constant 0 : i32
    %scan3A_65 = arith.constant 0 : i32
    %scan3A_66 = arith.constant 8 : i32
    %scan3A_67 = arith.addi %scan3A_65, %scan3A_66 : i32
    %scan3A_68 = arith.constant 1 : i32
    %scan3A_69 = scf.for %scan3A_337 = %scan3A_65 to %scan3A_67 step %scan3A_68 iter_args(%scan3A_338 = %scan3A) -> (i32)  : i32 {
      %mul3A_339 = arith.constant 8 : i32
      %mul3A_340 = arith.muli %scan3A_337, %mul3A_339 : i32
      %add3A_341 = arith.constant 0 : i32
      %add3A_342 = arith.addi %mul3A_340, %add3A_341 : i32
      %swap3A = arith.index_cast %add3A_342 : i32 to index
      %swap3A_343 = arith.constant 0 : index
      %swap3A_344 = tpu.vector_load %arg9[%swap3A, %swap3A_343] {strides = array<i32>} : memref<64x128xf32, #tpu.memory_space<vmem>>, vector<1x16xf32>,
      %swap3A_345 = vector.shape_cast %swap3A_344 : vector<1x16xf32> to vector<16xf32>
      %swap3A_346 = vector.shape_cast %broadcast_in_dim3A_64 : vector<16xf32> to vector<1x16xf32>
      tpu.vector_store %arg9[%swap3A, %swap3A_343], %swap3A_346 {strides = array<i32>} : memref<64x128xf32, #tpu.memory_space<vmem>>, vector<1x16xf32>,
      %mul3A_347 = arith.constant 8 : i32
      %mul3A_348 = arith.muli %scan3A_337, %mul3A_347 : i32
      %add3A_349 = arith.constant 0 : i32
      %add3A_350 = arith.addi %mul3A_348, %add3A_349 : i32
      %swap3A_351 = arith.index_cast %add3A_350 : i32 to index
      %swap3A_352 = arith.constant 16 : index
      %swap3A_353 = tpu.vector_load %arg9[%swap3A_351, %swap3A_352] {strides = array<i32>} : memref<64x128xf32, #tpu.memory_space<vmem>>, vector<1x16xf32>,
      %swap3A_354 = vector.shape_cast %swap3A_353 : vector<1x16xf32> to vector<16xf32>
      %swap3A_355 = vector.shape_cast %broadcast_in_dim3A_64 : vector<16xf32> to vector<1x16xf32>
      tpu.vector_store %arg9[%swap3A_351, %swap3A_352], %swap3A_355 {strides = array<i32>} : memref<64x128xf32, #tpu.memory_space<vmem>>, vector<1x16xf32>,
      %mul3A_356 = arith.constant 8 : i32
      %mul3A_357 = arith.muli %scan3A_337, %mul3A_356 : i32
      %add3A_358 = arith.constant 0 : i32
      %add3A_359 = arith.addi %mul3A_357, %add3A_358 : i32
      %swap3A_360 = arith.index_cast %add3A_359 : i32 to index
      %swap3A_361 = arith.constant 32 : index
      %swap3A_362 = tpu.vector_load %arg9[%swap3A_360, %swap3A_361] {strides = array<i32>} : memref<64x128xf32, #tpu.memory_space<vmem>>, vector<1x16xf32>,
      %swap3A_363 = vector.shape_cast %swap3A_362 : vector<1x16xf32> to vector<16xf32>
      %swap3A_364 = vector.shape_cast %broadcast_in_dim3A_64 : vector<16xf32> to vector<1x16xf32>
      tpu.vector_store %arg9[%swap3A_360, %swap3A_361], %swap3A_364 {strides = array<i32>} : memref<64x128xf32, #tpu.memory_space<vmem>>, vector<1x16xf32>,
      %mul3A_365 = arith.constant 8 : i32
      %mul3A_366 = arith.muli %scan3A_337, %mul3A_365 : i32
      %add3A_367 = arith.constant 0 : i32
      %add3A_368 = arith.addi %mul3A_366, %add3A_367 : i32
      %swap3A_369 = arith.index_cast %add3A_368 : i32 to index
      %swap3A_370 = arith.constant 48 : index
      %swap3A_371 = tpu.vector_load %arg9[%swap3A_369, %swap3A_370] {strides = array<i32>} : memref<64x128xf32, #tpu.memory_space<vmem>>, vector<1x16xf32>,
      %swap3A_372 = vector.shape_cast %swap3A_371 : vector<1x16xf32> to vector<16xf32>
      %swap3A_373 = vector.shape_cast %broadcast_in_dim3A_64 : vector<16xf32> to vector<1x16xf32>
      tpu.vector_store %arg9[%swap3A_369, %swap3A_370], %swap3A_373 {strides = array<i32>} : memref<64x128xf32, #tpu.memory_space<vmem>>, vector<1x16xf32>,
      %mul3A_374 = arith.constant 8 : i32
      %mul3A_375 = arith.muli %scan3A_337, %mul3A_374 : i32
      %add3A_376 = arith.constant 0 : i32
      %add3A_377 = arith.addi %mul3A_375, %add3A_376 : i32
      %swap3A_378 = arith.index_cast %add3A_377 : i32 to index
      %swap3A_379 = arith.constant 64 : index
      %swap3A_380 = tpu.vector_load %arg9[%swap3A_378, %swap3A_379] {strides = array<i32>} : memref<64x128xf32, #tpu.memory_space<vmem>>, vector<1x16xf32>,
      %swap3A_381 = vector.shape_cast %swap3A_380 : vector<1x16xf32> to vector<16xf32>
      %swap3A_382 = vector.shape_cast %broadcast_in_dim3A_64 : vector<16xf32> to vector<1x16xf32>
      tpu.vector_store %arg9[%swap3A_378, %swap3A_379], %swap3A_382 {strides = array<i32>} : memref<64x128xf32, #tpu.memory_space<vmem>>, vector<1x16xf32>,
      %mul3A_383 = arith.constant 8 : i32
      %mul3A_384 = arith.muli %scan3A_337, %mul3A_383 : i32
      %add3A_385 = arith.constant 0 : i32
      %add3A_386 = arith.addi %mul3A_384, %add3A_385 : i32
      %swap3A_387 = arith.index_cast %add3A_386 : i32 to index
      %swap3A_388 = arith.constant 80 : index
      %swap3A_389 = tpu.vector_load %arg9[%swap3A_387, %swap3A_388] {strides = array<i32>} : memref<64x128xf32, #tpu.memory_space<vmem>>, vector<1x16xf32>,
      %swap3A_390 = vector.shape_cast %swap3A_389 : vector<1x16xf32> to vector<16xf32>
      %swap3A_391 = vector.shape_cast %broadcast_in_dim3A_64 : vector<16xf32> to vector<1x16xf32>
      tpu.vector_store %arg9[%swap3A_387, %swap3A_388], %swap3A_391 {strides = array<i32>} : memref<64x128xf32, #tpu.memory_space<vmem>>, vector<1x16xf32>,
      %mul3A_392 = arith.constant 8 : i32
      %mul3A_393 = arith.muli %scan3A_337, %mul3A_392 : i32
      %add3A_394 = arith.constant 0 : i32
      %add3A_395 = arith.addi %mul3A_393, %add3A_394 : i32
      %swap3A_396 = arith.index_cast %add3A_395 : i32 to index
      %swap3A_397 = arith.constant 96 : index
      %swap3A_398 = tpu.vector_load %arg9[%swap3A_396, %swap3A_397] {strides = array<i32>} : memref<64x128xf32, #tpu.memory_space<vmem>>, vector<1x16xf32>,
      %swap3A_399 = vector.shape_cast %swap3A_398 : vector<1x16xf32> to vector<16xf32>
      %swap3A_400 = vector.shape_cast %broadcast_in_dim3A_64 : vector<16xf32> to vector<1x16xf32>
      tpu.vector_store %arg9[%swap3A_396, %swap3A_397], %swap3A_400 {strides = array<i32>} : memref<64x128xf32, #tpu.memory_space<vmem>>, vector<1x16xf32>,
      %mul3A_401 = arith.constant 8 : i32
      %mul3A_402 = arith.muli %scan3A_337, %mul3A_401 : i32
      %add3A_403 = arith.constant 0 : i32
      %add3A_404 = arith.addi %mul3A_402, %add3A_403 : i32
      %swap3A_405 = arith.index_cast %add3A_404 : i32 to index
      %swap3A_406 = arith.constant 112 : index
      %swap3A_407 = tpu.vector_load %arg9[%swap3A_405, %swap3A_406] {strides = array<i32>} : memref<64x128xf32, #tpu.memory_space<vmem>>, vector<1x16xf32>,
      %swap3A_408 = vector.shape_cast %swap3A_407 : vector<1x16xf32> to vector<16xf32>
      %swap3A_409 = vector.shape_cast %broadcast_in_dim3A_64 : vector<16xf32> to vector<1x16xf32>
      tpu.vector_store %arg9[%swap3A_405, %swap3A_406], %swap3A_409 {strides = array<i32>} : memref<64x128xf32, #tpu.memory_space<vmem>>, vector<1x16xf32>,
      %mul3A_410 = arith.constant 8 : i32
      %mul3A_411 = arith.muli %scan3A_337, %mul3A_410 : i32
      %add3A_412 = arith.constant 1 : i32
      %add3A_413 = arith.addi %mul3A_411, %add3A_412 : i32
      %swap3A_414 = arith.index_cast %add3A_413 : i32 to index
      %swap3A_415 = arith.constant 0 : index
      %swap3A_416 = tpu.vector_load %arg9[%swap3A_414, %swap3A_415] {strides = array<i32>} : memref<64x128xf32, #tpu.memory_space<vmem>>, vector<1x16xf32>,
      %swap3A_417 = vector.shape_cast %swap3A_416 : vector<1x16xf32> to vector<16xf32>
      %swap3A_418 = vector.shape_cast %broadcast_in_dim3A_64 : vector<16xf32> to vector<1x16xf32>
      tpu.vector_store %arg9[%swap3A_414, %swap3A_415], %swap3A_418 {strides = array<i32>} : memref<64x128xf32, #tpu.memory_space<vmem>>, vector<1x16xf32>,
      %mul3A_419 = arith.constant 8 : i32
      %mul3A_420 = arith.muli %scan3A_337, %mul3A_419 : i32
      %add3A_421 = arith.constant 1 : i32
      %add3A_422 = arith.addi %mul3A_420, %add3A_421 : i32
      %swap3A_423 = arith.index_cast %add3A_422 : i32 to index
      %swap3A_424 = arith.constant 16 : index
      %swap3A_425 = tpu.vector_load %arg9[%swap3A_423, %swap3A_424] {strides = array<i32>} : memref<64x128xf32, #tpu.memory_space<vmem>>, vector<1x16xf32>,
      %swap3A_426 = vector.shape_cast %swap3A_425 : vector<1x16xf32> to vector<16xf32>
      %swap3A_427 = vector.shape_cast %broadcast_in_dim3A_64 : vector<16xf32> to vector<1x16xf32>
      tpu.vector_store %arg9[%swap3A_423, %swap3A_424], %swap3A_427 {strides = array<i32>} : memref<64x128xf32, #tpu.memory_space<vmem>>, vector<1x16xf32>,
      %mul3A_428 = arith.constant 8 : i32
      %mul3A_429 = arith.muli %scan3A_337, %mul3A_428 : i32
      %add3A_430 = arith.constant 1 : i32
      %add3A_431 = arith.addi %mul3A_429, %add3A_430 : i32
      %swap3A_432 = arith.index_cast %add3A_431 : i32 to index
      %swap3A_433 = arith.constant 32 : index
      %swap3A_434 = tpu.vector_load %arg9[%swap3A_432, %swap3A_433] {strides = array<i32>} : memref<64x128xf32, #tpu.memory_space<vmem>>, vector<1x16xf32>,
      %swap3A_435 = vector.shape_cast %swap3A_434 : vector<1x16xf32> to vector<16xf32>
      %swap3A_436 = vector.shape_cast %broadcast_in_dim3A_64 : vector<16xf32> to vector<1x16xf32>
      tpu.vector_store %arg9[%swap3A_432, %swap3A_433], %swap3A_436 {strides = array<i32>} : memref<64x128xf32, #tpu.memory_space<vmem>>, vector<1x16xf32>,
      %mul3A_437 = arith.constant 8 : i32
      %mul3A_438 = arith.muli %scan3A_337, %mul3A_437 : i32
      %add3A_439 = arith.constant 1 : i32
      %add3A_440 = arith.addi %mul3A_438, %add3A_439 : i32
      %swap3A_441 = arith.index_cast %add3A_440 : i32 to index
      %swap3A_442 = arith.constant 48 : index
      %swap3A_443 = tpu.vector_load %arg9[%swap3A_441, %swap3A_442] {strides = array<i32>} : memref<64x128xf32, #tpu.memory_space<vmem>>, vector<1x16xf32>,
      %swap3A_444 = vector.shape_cast %swap3A_443 : vector<1x16xf32> to vector<16xf32>
      %swap3A_445 = vector.shape_cast %broadcast_in_dim3A_64 : vector<16xf32> to vector<1x16xf32>
      tpu.vector_store %arg9[%swap3A_441, %swap3A_442], %swap3A_445 {strides = array<i32>} : memref<64x128xf32, #tpu.memory_space<vmem>>, vector<1x16xf32>,
      %mul3A_446 = arith.constant 8 : i32
      %mul3A_447 = arith.muli %scan3A_337, %mul3A_446 : i32
      %add3A_448 = arith.constant 1 : i32
      %add3A_449 = arith.addi %mul3A_447, %add3A_448 : i32
      %swap3A_450 = arith.index_cast %add3A_449 : i32 to index
      %swap3A_451 = arith.constant 64 : index
      %swap3A_452 = tpu.vector_load %arg9[%swap3A_450, %swap3A_451] {strides = array<i32>} : memref<64x128xf32, #tpu.memory_space<vmem>>, vector<1x16xf32>,
      %swap3A_453 = vector.shape_cast %swap3A_452 : vector<1x16xf32> to vector<16xf32>
      %swap3A_454 = vector.shape_cast %broadcast_in_dim3A_64 : vector<16xf32> to vector<1x16xf32>
      tpu.vector_store %arg9[%swap3A_450, %swap3A_451], %swap3A_454 {strides = array<i32>} : memref<64x128xf32, #tpu.memory_space<vmem>>, vector<1x16xf32>,
      %mul3A_455 = arith.constant 8 : i32
      %mul3A_456 = arith.muli %scan3A_337, %mul3A_455 : i32
      %add3A_457 = arith.constant 1 : i32
      %add3A_458 = arith.addi %mul3A_456, %add3A_457 : i32
      %swap3A_459 = arith.index_cast %add3A_458 : i32 to index
      %swap3A_460 = arith.constant 80 : index
      %swap3A_461 = tpu.vector_load %arg9[%swap3A_459, %swap3A_460] {strides = array<i32>} : memref<64x128xf32, #tpu.memory_space<vmem>>, vector<1x16xf32>,
      %swap3A_462 = vector.shape_cast %swap3A_461 : vector<1x16xf32> to vector<16xf32>
      %swap3A_463 = vector.shape_cast %broadcast_in_dim3A_64 : vector<16xf32> to vector<1x16xf32>
      tpu.vector_store %arg9[%swap3A_459, %swap3A_460], %swap3A_463 {strides = array<i32>} : memref<64x128xf32, #tpu.memory_space<vmem>>, vector<1x16xf32>,
      %mul3A_464 = arith.constant 8 : i32
      %mul3A_465 = arith.muli %scan3A_337, %mul3A_464 : i32
      %add3A_466 = arith.constant 1 : i32
      %add3A_467 = arith.addi %mul3A_465, %add3A_466 : i32
      %swap3A_468 = arith.index_cast %add3A_467 : i32 to index
      %swap3A_469 = arith.constant 96 : index
      %swap3A_470 = tpu.vector_load %arg9[%swap3A_468, %swap3A_469] {strides = array<i32>} : memref<64x128xf32, #tpu.memory_space<vmem>>, vector<1x16xf32>,
      %swap3A_471 = vector.shape_cast %swap3A_470 : vector<1x16xf32> to vector<16xf32>
      %swap3A_472 = vector.shape_cast %broadcast_in_dim3A_64 : vector<16xf32> to vector<1x16xf32>
      tpu.vector_store %arg9[%swap3A_468, %swap3A_469], %swap3A_472 {strides = array<i32>} : memref<64x128xf32, #tpu.memory_space<vmem>>, vector<1x16xf32>,
      %mul3A_473 = arith.constant 8 : i32
      %mul3A_474 = arith.muli %scan3A_337, %mul3A_473 : i32
      %add3A_475 = arith.constant 1 : i32
      %add3A_476 = arith.addi %mul3A_474, %add3A_475 : i32
      %swap3A_477 = arith.index_cast %add3A_476 : i32 to index
      %swap3A_478 = arith.constant 112 : index
      %swap3A_479 = tpu.vector_load %arg9[%swap3A_477, %swap3A_478] {strides = array<i32>} : memref<64x128xf32, #tpu.memory_space<vmem>>, vector<1x16xf32>,
      %swap3A_480 = vector.shape_cast %swap3A_479 : vector<1x16xf32> to vector<16xf32>
      %swap3A_481 = vector.shape_cast %broadcast_in_dim3A_64 : vector<16xf32> to vector<1x16xf32>
      tpu.vector_store %arg9[%swap3A_477, %swap3A_478], %swap3A_481 {strides = array<i32>} : memref<64x128xf32, #tpu.memory_space<vmem>>, vector<1x16xf32>,
      %mul3A_482 = arith.constant 8 : i32
      %mul3A_483 = arith.muli %scan3A_337, %mul3A_482 : i32
      %add3A_484 = arith.constant 2 : i32
      %add3A_485 = arith.addi %mul3A_483, %add3A_484 : i32
      %swap3A_486 = arith.index_cast %add3A_485 : i32 to index
      %swap3A_487 = arith.constant 0 : index
      %swap3A_488 = tpu.vector_load %arg9[%swap3A_486, %swap3A_487] {strides = array<i32>} : memref<64x128xf32, #tpu.memory_space<vmem>>, vector<1x16xf32>,
      %swap3A_489 = vector.shape_cast %swap3A_488 : vector<1x16xf32> to vector<16xf32>
      %swap3A_490 = vector.shape_cast %broadcast_in_dim3A_64 : vector<16xf32> to vector<1x16xf32>
      tpu.vector_store %arg9[%swap3A_486, %swap3A_487], %swap3A_490 {strides = array<i32>} : memref<64x128xf32, #tpu.memory_space<vmem>>, vector<1x16xf32>,
      %mul3A_491 = arith.constant 8 : i32
      %mul3A_492 = arith.muli %scan3A_337, %mul3A_491 : i32
      %add3A_493 = arith.constant 2 : i32
      %add3A_494 = arith.addi %mul3A_492, %add3A_493 : i32
      %swap3A_495 = arith.index_cast %add3A_494 : i32 to index
      %swap3A_496 = arith.constant 16 : index
      %swap3A_497 = tpu.vector_load %arg9[%swap3A_495, %swap3A_496] {strides = array<i32>} : memref<64x128xf32, #tpu.memory_space<vmem>>, vector<1x16xf32>,
      %swap3A_498 = vector.shape_cast %swap3A_497 : vector<1x16xf32> to vector<16xf32>
      %swap3A_499 = vector.shape_cast %broadcast_in_dim3A_64 : vector<16xf32> to vector<1x16xf32>
      tpu.vector_store %arg9[%swap3A_495, %swap3A_496], %swap3A_499 {strides = array<i32>} : memref<64x128xf32, #tpu.memory_space<vmem>>, vector<1x16xf32>,
      %mul3A_500 = arith.constant 8 : i32
      %mul3A_501 = arith.muli %scan3A_337, %mul3A_500 : i32
      %add3A_502 = arith.constant 2 : i32
      %add3A_503 = arith.addi %mul3A_501, %add3A_502 : i32
      %swap3A_504 = arith.index_cast %add3A_503 : i32 to index
      %swap3A_505 = arith.constant 32 : index
      %swap3A_506 = tpu.vector_load %arg9[%swap3A_504, %swap3A_505] {strides = array<i32>} : memref<64x128xf32, #tpu.memory_space<vmem>>, vector<1x16xf32>,
      %swap3A_507 = vector.shape_cast %swap3A_506 : vector<1x16xf32> to vector<16xf32>
      %swap3A_508 = vector.shape_cast %broadcast_in_dim3A_64 : vector<16xf32> to vector<1x16xf32>
      tpu.vector_store %arg9[%swap3A_504, %swap3A_505], %swap3A_508 {strides = array<i32>} : memref<64x128xf32, #tpu.memory_space<vmem>>, vector<1x16xf32>,
      %mul3A_509 = arith.constant 8 : i32
      %mul3A_510 = arith.muli %scan3A_337, %mul3A_509 : i32
      %add3A_511 = arith.constant 2 : i32
      %add3A_512 = arith.addi %mul3A_510, %add3A_511 : i32
      %swap3A_513 = arith.index_cast %add3A_512 : i32 to index
      %swap3A_514 = arith.constant 48 : index
      %swap3A_515 = tpu.vector_load %arg9[%swap3A_513, %swap3A_514] {strides = array<i32>} : memref<64x128xf32, #tpu.memory_space<vmem>>, vector<1x16xf32>,
      %swap3A_516 = vector.shape_cast %swap3A_515 : vector<1x16xf32> to vector<16xf32>
      %swap3A_517 = vector.shape_cast %broadcast_in_dim3A_64 : vector<16xf32> to vector<1x16xf32>
      tpu.vector_store %arg9[%swap3A_513, %swap3A_514], %swap3A_517 {strides = array<i32>} : memref<64x128xf32, #tpu.memory_space<vmem>>, vector<1x16xf32>,
      %mul3A_518 = arith.constant 8 : i32
      %mul3A_519 = arith.muli %scan3A_337, %mul3A_518 : i32
      %add3A_520 = arith.constant 2 : i32
      %add3A_521 = arith.addi %mul3A_519, %add3A_520 : i32
      %swap3A_522 = arith.index_cast %add3A_521 : i32 to index
      %swap3A_523 = arith.constant 64 : index
      %swap3A_524 = tpu.vector_load %arg9[%swap3A_522, %swap3A_523] {strides = array<i32>} : memref<64x128xf32, #tpu.memory_space<vmem>>, vector<1x16xf32>,
      %swap3A_525 = vector.shape_cast %swap3A_524 : vector<1x16xf32> to vector<16xf32>
      %swap3A_526 = vector.shape_cast %broadcast_in_dim3A_64 : vector<16xf32> to vector<1x16xf32>
      tpu.vector_store %arg9[%swap3A_522, %swap3A_523], %swap3A_526 {strides = array<i32>} : memref<64x128xf32, #tpu.memory_space<vmem>>, vector<1x16xf32>,
      %mul3A_527 = arith.constant 8 : i32
      %mul3A_528 = arith.muli %scan3A_337, %mul3A_527 : i32
      %add3A_529 = arith.constant 2 : i32
      %add3A_530 = arith.addi %mul3A_528, %add3A_529 : i32
      %swap3A_531 = arith.index_cast %add3A_530 : i32 to index
      %swap3A_532 = arith.constant 80 : index
      %swap3A_533 = tpu.vector_load %arg9[%swap3A_531, %swap3A_532] {strides = array<i32>} : memref<64x128xf32, #tpu.memory_space<vmem>>, vector<1x16xf32>,
      %swap3A_534 = vector.shape_cast %swap3A_533 : vector<1x16xf32> to vector<16xf32>
      %swap3A_535 = vector.shape_cast %broadcast_in_dim3A_64 : vector<16xf32> to vector<1x16xf32>
      tpu.vector_store %arg9[%swap3A_531, %swap3A_532], %swap3A_535 {strides = array<i32>} : memref<64x128xf32, #tpu.memory_space<vmem>>, vector<1x16xf32>,
      %mul3A_536 = arith.constant 8 : i32
      %mul3A_537 = arith.muli %scan3A_337, %mul3A_536 : i32
      %add3A_538 = arith.constant 2 : i32
      %add3A_539 = arith.addi %mul3A_537, %add3A_538 : i32
      %swap3A_540 = arith.index_cast %add3A_539 : i32 to index
      %swap3A_541 = arith.constant 96 : index
      %swap3A_542 = tpu.vector_load %arg9[%swap3A_540, %swap3A_541] {strides = array<i32>} : memref<64x128xf32, #tpu.memory_space<vmem>>, vector<1x16xf32>,
      %swap3A_543 = vector.shape_cast %swap3A_542 : vector<1x16xf32> to vector<16xf32>
      %swap3A_544 = vector.shape_cast %broadcast_in_dim3A_64 : vector<16xf32> to vector<1x16xf32>
      tpu.vector_store %arg9[%swap3A_540, %swap3A_541], %swap3A_544 {strides = array<i32>} : memref<64x128xf32, #tpu.memory_space<vmem>>, vector<1x16xf32>,
      %mul3A_545 = arith.constant 8 : i32
      %mul3A_546 = arith.muli %scan3A_337, %mul3A_545 : i32
      %add3A_547 = arith.constant 2 : i32
      %add3A_548 = arith.addi %mul3A_546, %add3A_547 : i32
      %swap3A_549 = arith.index_cast %add3A_548 : i32 to index
      %swap3A_550 = arith.constant 112 : index
      %swap3A_551 = tpu.vector_load %arg9[%swap3A_549, %swap3A_550] {strides = array<i32>} : memref<64x128xf32, #tpu.memory_space<vmem>>, vector<1x16xf32>,
      %swap3A_552 = vector.shape_cast %swap3A_551 : vector<1x16xf32> to vector<16xf32>
      %swap3A_553 = vector.shape_cast %broadcast_in_dim3A_64 : vector<16xf32> to vector<1x16xf32>
      tpu.vector_store %arg9[%swap3A_549, %swap3A_550], %swap3A_553 {strides = array<i32>} : memref<64x128xf32, #tpu.memory_space<vmem>>, vector<1x16xf32>,
      %mul3A_554 = arith.constant 8 : i32
      %mul3A_555 = arith.muli %scan3A_337, %mul3A_554 : i32
      %add3A_556 = arith.constant 3 : i32
      %add3A_557 = arith.addi %mul3A_555, %add3A_556 : i32
      %swap3A_558 = arith.index_cast %add3A_557 : i32 to index
      %swap3A_559 = arith.constant 0 : index
      %swap3A_560 = tpu.vector_load %arg9[%swap3A_558, %swap3A_559] {strides = array<i32>} : memref<64x128xf32, #tpu.memory_space<vmem>>, vector<1x16xf32>,
      %swap3A_561 = vector.shape_cast %swap3A_560 : vector<1x16xf32> to vector<16xf32>
      %swap3A_562 = vector.shape_cast %broadcast_in_dim3A_64 : vector<16xf32> to vector<1x16xf32>
      tpu.vector_store %arg9[%swap3A_558, %swap3A_559], %swap3A_562 {strides = array<i32>} : memref<64x128xf32, #tpu.memory_space<vmem>>, vector<1x16xf32>,
      %mul3A_563 = arith.constant 8 : i32
      %mul3A_564 = arith.muli %scan3A_337, %mul3A_563 : i32
      %add3A_565 = arith.constant 3 : i32
      %add3A_566 = arith.addi %mul3A_564, %add3A_565 : i32
      %swap3A_567 = arith.index_cast %add3A_566 : i32 to index
      %swap3A_568 = arith.constant 16 : index
      %swap3A_569 = tpu.vector_load %arg9[%swap3A_567, %swap3A_568] {strides = array<i32>} : memref<64x128xf32, #tpu.memory_space<vmem>>, vector<1x16xf32>,
      %swap3A_570 = vector.shape_cast %swap3A_569 : vector<1x16xf32> to vector<16xf32>
      %swap3A_571 = vector.shape_cast %broadcast_in_dim3A_64 : vector<16xf32> to vector<1x16xf32>
      tpu.vector_store %arg9[%swap3A_567, %swap3A_568], %swap3A_571 {strides = array<i32>} : memref<64x128xf32, #tpu.memory_space<vmem>>, vector<1x16xf32>,
      %mul3A_572 = arith.constant 8 : i32
      %mul3A_573 = arith.muli %scan3A_337, %mul3A_572 : i32
      %add3A_574 = arith.constant 3 : i32
      %add3A_575 = arith.addi %mul3A_573, %add3A_574 : i32
      %swap3A_576 = arith.index_cast %add3A_575 : i32 to index
      %swap3A_577 = arith.constant 32 : index
      %swap3A_578 = tpu.vector_load %arg9[%swap3A_576, %swap3A_577] {strides = array<i32>} : memref<64x128xf32, #tpu.memory_space<vmem>>, vector<1x16xf32>,
      %swap3A_579 = vector.shape_cast %swap3A_578 : vector<1x16xf32> to vector<16xf32>
      %swap3A_580 = vector.shape_cast %broadcast_in_dim3A_64 : vector<16xf32> to vector<1x16xf32>
      tpu.vector_store %arg9[%swap3A_576, %swap3A_577], %swap3A_580 {strides = array<i32>} : memref<64x128xf32, #tpu.memory_space<vmem>>, vector<1x16xf32>,
      %mul3A_581 = arith.constant 8 : i32
      %mul3A_582 = arith.muli %scan3A_337, %mul3A_581 : i32
      %add3A_583 = arith.constant 3 : i32
      %add3A_584 = arith.addi %mul3A_582, %add3A_583 : i32
      %swap3A_585 = arith.index_cast %add3A_584 : i32 to index
      %swap3A_586 = arith.constant 48 : index
      %swap3A_587 = tpu.vector_load %arg9[%swap3A_585, %swap3A_586] {strides = array<i32>} : memref<64x128xf32, #tpu.memory_space<vmem>>, vector<1x16xf32>,
      %swap3A_588 = vector.shape_cast %swap3A_587 : vector<1x16xf32> to vector<16xf32>
      %swap3A_589 = vector.shape_cast %broadcast_in_dim3A_64 : vector<16xf32> to vector<1x16xf32>
      tpu.vector_store %arg9[%swap3A_585, %swap3A_586], %swap3A_589 {strides = array<i32>} : memref<64x128xf32, #tpu.memory_space<vmem>>, vector<1x16xf32>,
      %mul3A_590 = arith.constant 8 : i32
      %mul3A_591 = arith.muli %scan3A_337, %mul3A_590 : i32
      %add3A_592 = arith.constant 3 : i32
      %add3A_593 = arith.addi %mul3A_591, %add3A_592 : i32
      %swap3A_594 = arith.index_cast %add3A_593 : i32 to index
      %swap3A_595 = arith.constant 64 : index
      %swap3A_596 = tpu.vector_load %arg9[%swap3A_594, %swap3A_595] {strides = array<i32>} : memref<64x128xf32, #tpu.memory_space<vmem>>, vector<1x16xf32>,
      %swap3A_597 = vector.shape_cast %swap3A_596 : vector<1x16xf32> to vector<16xf32>
      %swap3A_598 = vector.shape_cast %broadcast_in_dim3A_64 : vector<16xf32> to vector<1x16xf32>
      tpu.vector_store %arg9[%swap3A_594, %swap3A_595], %swap3A_598 {strides = array<i32>} : memref<64x128xf32, #tpu.memory_space<vmem>>, vector<1x16xf32>,
      %mul3A_599 = arith.constant 8 : i32
      %mul3A_600 = arith.muli %scan3A_337, %mul3A_599 : i32
      %add3A_601 = arith.constant 3 : i32
      %add3A_602 = arith.addi %mul3A_600, %add3A_601 : i32
      %swap3A_603 = arith.index_cast %add3A_602 : i32 to index
      %swap3A_604 = arith.constant 80 : index
      %swap3A_605 = tpu.vector_load %arg9[%swap3A_603, %swap3A_604] {strides = array<i32>} : memref<64x128xf32, #tpu.memory_space<vmem>>, vector<1x16xf32>,
      %swap3A_606 = vector.shape_cast %swap3A_605 : vector<1x16xf32> to vector<16xf32>
      %swap3A_607 = vector.shape_cast %broadcast_in_dim3A_64 : vector<16xf32> to vector<1x16xf32>
      tpu.vector_store %arg9[%swap3A_603, %swap3A_604], %swap3A_607 {strides = array<i32>} : memref<64x128xf32, #tpu.memory_space<vmem>>, vector<1x16xf32>,
      %mul3A_608 = arith.constant 8 : i32
      %mul3A_609 = arith.muli %scan3A_337, %mul3A_608 : i32
      %add3A_610 = arith.constant 3 : i32
      %add3A_611 = arith.addi %mul3A_609, %add3A_610 : i32
      %swap3A_612 = arith.index_cast %add3A_611 : i32 to index
      %swap3A_613 = arith.constant 96 : index
      %swap3A_614 = tpu.vector_load %arg9[%swap3A_612, %swap3A_613] {strides = array<i32>} : memref<64x128xf32, #tpu.memory_space<vmem>>, vector<1x16xf32>,
      %swap3A_615 = vector.shape_cast %swap3A_614 : vector<1x16xf32> to vector<16xf32>
      %swap3A_616 = vector.shape_cast %broadcast_in_dim3A_64 : vector<16xf32> to vector<1x16xf32>
      tpu.vector_store %arg9[%swap3A_612, %swap3A_613], %swap3A_616 {strides = array<i32>} : memref<64x128xf32, #tpu.memory_space<vmem>>, vector<1x16xf32>,
      %mul3A_617 = arith.constant 8 : i32
      %mul3A_618 = arith.muli %scan3A_337, %mul3A_617 : i32
      %add3A_619 = arith.constant 3 : i32
      %add3A_620 = arith.addi %mul3A_618, %add3A_619 : i32
      %swap3A_621 = arith.index_cast %add3A_620 : i32 to index
      %swap3A_622 = arith.constant 112 : index
      %swap3A_623 = tpu.vector_load %arg9[%swap3A_621, %swap3A_622] {strides = array<i32>} : memref<64x128xf32, #tpu.memory_space<vmem>>, vector<1x16xf32>,
      %swap3A_624 = vector.shape_cast %swap3A_623 : vector<1x16xf32> to vector<16xf32>
      %swap3A_625 = vector.shape_cast %broadcast_in_dim3A_64 : vector<16xf32> to vector<1x16xf32>
      tpu.vector_store %arg9[%swap3A_621, %swap3A_622], %swap3A_625 {strides = array<i32>} : memref<64x128xf32, #tpu.memory_space<vmem>>, vector<1x16xf32>,
      %mul3A_626 = arith.constant 8 : i32
      %mul3A_627 = arith.muli %scan3A_337, %mul3A_626 : i32
      %add3A_628 = arith.constant 4 : i32
      %add3A_629 = arith.addi %mul3A_627, %add3A_628 : i32
      %swap3A_630 = arith.index_cast %add3A_629 : i32 to index
      %swap3A_631 = arith.constant 0 : index
      %swap3A_632 = tpu.vector_load %arg9[%swap3A_630, %swap3A_631] {strides = array<i32>} : memref<64x128xf32, #tpu.memory_space<vmem>>, vector<1x16xf32>,
      %swap3A_633 = vector.shape_cast %swap3A_632 : vector<1x16xf32> to vector<16xf32>
      %swap3A_634 = vector.shape_cast %broadcast_in_dim3A_64 : vector<16xf32> to vector<1x16xf32>
      tpu.vector_store %arg9[%swap3A_630, %swap3A_631], %swap3A_634 {strides = array<i32>} : memref<64x128xf32, #tpu.memory_space<vmem>>, vector<1x16xf32>,
      %mul3A_635 = arith.constant 8 : i32
      %mul3A_636 = arith.muli %scan3A_337, %mul3A_635 : i32
      %add3A_637 = arith.constant 4 : i32
      %add3A_638 = arith.addi %mul3A_636, %add3A_637 : i32
      %swap3A_639 = arith.index_cast %add3A_638 : i32 to index
      %swap3A_640 = arith.constant 16 : index
      %swap3A_641 = tpu.vector_load %arg9[%swap3A_639, %swap3A_640] {strides = array<i32>} : memref<64x128xf32, #tpu.memory_space<vmem>>, vector<1x16xf32>,
      %swap3A_642 = vector.shape_cast %swap3A_641 : vector<1x16xf32> to vector<16xf32>
      %swap3A_643 = vector.shape_cast %broadcast_in_dim3A_64 : vector<16xf32> to vector<1x16xf32>
      tpu.vector_store %arg9[%swap3A_639, %swap3A_640], %swap3A_643 {strides = array<i32>} : memref<64x128xf32, #tpu.memory_space<vmem>>, vector<1x16xf32>,
      %mul3A_644 = arith.constant 8 : i32
      %mul3A_645 = arith.muli %scan3A_337, %mul3A_644 : i32
      %add3A_646 = arith.constant 4 : i32
      %add3A_647 = arith.addi %mul3A_645, %add3A_646 : i32
      %swap3A_648 = arith.index_cast %add3A_647 : i32 to index
      %swap3A_649 = arith.constant 32 : index
      %swap3A_650 = tpu.vector_load %arg9[%swap3A_648, %swap3A_649] {strides = array<i32>} : memref<64x128xf32, #tpu.memory_space<vmem>>, vector<1x16xf32>,
      %swap3A_651 = vector.shape_cast %swap3A_650 : vector<1x16xf32> to vector<16xf32>
      %swap3A_652 = vector.shape_cast %broadcast_in_dim3A_64 : vector<16xf32> to vector<1x16xf32>
      tpu.vector_store %arg9[%swap3A_648, %swap3A_649], %swap3A_652 {strides = array<i32>} : memref<64x128xf32, #tpu.memory_space<vmem>>, vector<1x16xf32>,
      %mul3A_653 = arith.constant 8 : i32
      %mul3A_654 = arith.muli %scan3A_337, %mul3A_653 : i32
      %add3A_655 = arith.constant 4 : i32
      %add3A_656 = arith.addi %mul3A_654, %add3A_655 : i32
      %swap3A_657 = arith.index_cast %add3A_656 : i32 to index
      %swap3A_658 = arith.constant 48 : index
      %swap3A_659 = tpu.vector_load %arg9[%swap3A_657, %swap3A_658] {strides = array<i32>} : memref<64x128xf32, #tpu.memory_space<vmem>>, vector<1x16xf32>,
      %swap3A_660 = vector.shape_cast %swap3A_659 : vector<1x16xf32> to vector<16xf32>
      %swap3A_661 = vector.shape_cast %broadcast_in_dim3A_64 : vector<16xf32> to vector<1x16xf32>
      tpu.vector_store %arg9[%swap3A_657, %swap3A_658], %swap3A_661 {strides = array<i32>} : memref<64x128xf32, #tpu.memory_space<vmem>>, vector<1x16xf32>,
      %mul3A_662 = arith.constant 8 : i32
      %mul3A_663 = arith.muli %scan3A_337, %mul3A_662 : i32
      %add3A_664 = arith.constant 4 : i32
      %add3A_665 = arith.addi %mul3A_663, %add3A_664 : i32
      %swap3A_666 = arith.index_cast %add3A_665 : i32 to index
      %swap3A_667 = arith.constant 64 : index
      %swap3A_668 = tpu.vector_load %arg9[%swap3A_666, %swap3A_667] {strides = array<i32>} : memref<64x128xf32, #tpu.memory_space<vmem>>, vector<1x16xf32>,
      %swap3A_669 = vector.shape_cast %swap3A_668 : vector<1x16xf32> to vector<16xf32>
      %swap3A_670 = vector.shape_cast %broadcast_in_dim3A_64 : vector<16xf32> to vector<1x16xf32>
      tpu.vector_store %arg9[%swap3A_666, %swap3A_667], %swap3A_670 {strides = array<i32>} : memref<64x128xf32, #tpu.memory_space<vmem>>, vector<1x16xf32>,
      %mul3A_671 = arith.constant 8 : i32
      %mul3A_672 = arith.muli %scan3A_337, %mul3A_671 : i32
      %add3A_673 = arith.constant 4 : i32
      %add3A_674 = arith.addi %mul3A_672, %add3A_673 : i32
      %swap3A_675 = arith.index_cast %add3A_674 : i32 to index
      %swap3A_676 = arith.constant 80 : index
      %swap3A_677 = tpu.vector_load %arg9[%swap3A_675, %swap3A_676] {strides = array<i32>} : memref<64x128xf32, #tpu.memory_space<vmem>>, vector<1x16xf32>,
      %swap3A_678 = vector.shape_cast %swap3A_677 : vector<1x16xf32> to vector<16xf32>
      %swap3A_679 = vector.shape_cast %broadcast_in_dim3A_64 : vector<16xf32> to vector<1x16xf32>
      tpu.vector_store %arg9[%swap3A_675, %swap3A_676], %swap3A_679 {strides = array<i32>} : memref<64x128xf32, #tpu.memory_space<vmem>>, vector<1x16xf32>,
      %mul3A_680 = arith.constant 8 : i32
      %mul3A_681 = arith.muli %scan3A_337, %mul3A_680 : i32
      %add3A_682 = arith.constant 4 : i32
      %add3A_683 = arith.addi %mul3A_681, %add3A_682 : i32
      %swap3A_684 = arith.index_cast %add3A_683 : i32 to index
      %swap3A_685 = arith.constant 96 : index
      %swap3A_686 = tpu.vector_load %arg9[%swap3A_684, %swap3A_685] {strides = array<i32>} : memref<64x128xf32, #tpu.memory_space<vmem>>, vector<1x16xf32>,
      %swap3A_687 = vector.shape_cast %swap3A_686 : vector<1x16xf32> to vector<16xf32>
      %swap3A_688 = vector.shape_cast %broadcast_in_dim3A_64 : vector<16xf32> to vector<1x16xf32>
      tpu.vector_store %arg9[%swap3A_684, %swap3A_685], %swap3A_688 {strides = array<i32>} : memref<64x128xf32, #tpu.memory_space<vmem>>, vector<1x16xf32>,
      %mul3A_689 = arith.constant 8 : i32
      %mul3A_690 = arith.muli %scan3A_337, %mul3A_689 : i32
      %add3A_691 = arith.constant 4 : i32
      %add3A_692 = arith.addi %mul3A_690, %add3A_691 : i32
      %swap3A_693 = arith.index_cast %add3A_692 : i32 to index
      %swap3A_694 = arith.constant 112 : index
      %swap3A_695 = tpu.vector_load %arg9[%swap3A_693, %swap3A_694] {strides = array<i32>} : memref<64x128xf32, #tpu.memory_space<vmem>>, vector<1x16xf32>,
      %swap3A_696 = vector.shape_cast %swap3A_695 : vector<1x16xf32> to vector<16xf32>
      %swap3A_697 = vector.shape_cast %broadcast_in_dim3A_64 : vector<16xf32> to vector<1x16xf32>
      tpu.vector_store %arg9[%swap3A_693, %swap3A_694], %swap3A_697 {strides = array<i32>} : memref<64x128xf32, #tpu.memory_space<vmem>>, vector<1x16xf32>,
      %mul3A_698 = arith.constant 8 : i32
      %mul3A_699 = arith.muli %scan3A_337, %mul3A_698 : i32
      %add3A_700 = arith.constant 5 : i32
      %add3A_701 = arith.addi %mul3A_699, %add3A_700 : i32
      %swap3A_702 = arith.index_cast %add3A_701 : i32 to index
      %swap3A_703 = arith.constant 0 : index
      %swap3A_704 = tpu.vector_load %arg9[%swap3A_702, %swap3A_703] {strides = array<i32>} : memref<64x128xf32, #tpu.memory_space<vmem>>, vector<1x16xf32>,
      %swap3A_705 = vector.shape_cast %swap3A_704 : vector<1x16xf32> to vector<16xf32>
      %swap3A_706 = vector.shape_cast %broadcast_in_dim3A_64 : vector<16xf32> to vector<1x16xf32>
      tpu.vector_store %arg9[%swap3A_702, %swap3A_703], %swap3A_706 {strides = array<i32>} : memref<64x128xf32, #tpu.memory_space<vmem>>, vector<1x16xf32>,
      %mul3A_707 = arith.constant 8 : i32
      %mul3A_708 = arith.muli %scan3A_337, %mul3A_707 : i32
      %add3A_709 = arith.constant 5 : i32
      %add3A_710 = arith.addi %mul3A_708, %add3A_709 : i32
      %swap3A_711 = arith.index_cast %add3A_710 : i32 to index
      %swap3A_712 = arith.constant 16 : index
      %swap3A_713 = tpu.vector_load %arg9[%swap3A_711, %swap3A_712] {strides = array<i32>} : memref<64x128xf32, #tpu.memory_space<vmem>>, vector<1x16xf32>,
      %swap3A_714 = vector.shape_cast %swap3A_713 : vector<1x16xf32> to vector<16xf32>
      %swap3A_715 = vector.shape_cast %broadcast_in_dim3A_64 : vector<16xf32> to vector<1x16xf32>
      tpu.vector_store %arg9[%swap3A_711, %swap3A_712], %swap3A_715 {strides = array<i32>} : memref<64x128xf32, #tpu.memory_space<vmem>>, vector<1x16xf32>,
      %mul3A_716 = arith.constant 8 : i32
      %mul3A_717 = arith.muli %scan3A_337, %mul3A_716 : i32
      %add3A_718 = arith.constant 5 : i32
      %add3A_719 = arith.addi %mul3A_717, %add3A_718 : i32
      %swap3A_720 = arith.index_cast %add3A_719 : i32 to index
      %swap3A_721 = arith.constant 32 : index
      %swap3A_722 = tpu.vector_load %arg9[%swap3A_720, %swap3A_721] {strides = array<i32>} : memref<64x128xf32, #tpu.memory_space<vmem>>, vector<1x16xf32>,
      %swap3A_723 = vector.shape_cast %swap3A_722 : vector<1x16xf32> to vector<16xf32>
      %swap3A_724 = vector.shape_cast %broadcast_in_dim3A_64 : vector<16xf32> to vector<1x16xf32>
      tpu.vector_store %arg9[%swap3A_720, %swap3A_721], %swap3A_724 {strides = array<i32>} : memref<64x128xf32, #tpu.memory_space<vmem>>, vector<1x16xf32>,
      %mul3A_725 = arith.constant 8 : i32
      %mul3A_726 = arith.muli %scan3A_337, %mul3A_725 : i32
      %add3A_727 = arith.constant 5 : i32
      %add3A_728 = arith.addi %mul3A_726, %add3A_727 : i32
      %swap3A_729 = arith.index_cast %add3A_728 : i32 to index
      %swap3A_730 = arith.constant 48 : index
      %swap3A_731 = tpu.vector_load %arg9[%swap3A_729, %swap3A_730] {strides = array<i32>} : memref<64x128xf32, #tpu.memory_space<vmem>>, vector<1x16xf32>,
      %swap3A_732 = vector.shape_cast %swap3A_731 : vector<1x16xf32> to vector<16xf32>
      %swap3A_733 = vector.shape_cast %broadcast_in_dim3A_64 : vector<16xf32> to vector<1x16xf32>
      tpu.vector_store %arg9[%swap3A_729, %swap3A_730], %swap3A_733 {strides = array<i32>} : memref<64x128xf32, #tpu.memory_space<vmem>>, vector<1x16xf32>,
      %mul3A_734 = arith.constant 8 : i32
      %mul3A_735 = arith.muli %scan3A_337, %mul3A_734 : i32
      %add3A_736 = arith.constant 5 : i32
      %add3A_737 = arith.addi %mul3A_735, %add3A_736 : i32
      %swap3A_738 = arith.index_cast %add3A_737 : i32 to index
      %swap3A_739 = arith.constant 64 : index
      %swap3A_740 = tpu.vector_load %arg9[%swap3A_738, %swap3A_739] {strides = array<i32>} : memref<64x128xf32, #tpu.memory_space<vmem>>, vector<1x16xf32>,
      %swap3A_741 = vector.shape_cast %swap3A_740 : vector<1x16xf32> to vector<16xf32>
      %swap3A_742 = vector.shape_cast %broadcast_in_dim3A_64 : vector<16xf32> to vector<1x16xf32>
      tpu.vector_store %arg9[%swap3A_738, %swap3A_739], %swap3A_742 {strides = array<i32>} : memref<64x128xf32, #tpu.memory_space<vmem>>, vector<1x16xf32>,
      %mul3A_743 = arith.constant 8 : i32
      %mul3A_744 = arith.muli %scan3A_337, %mul3A_743 : i32
      %add3A_745 = arith.constant 5 : i32
      %add3A_746 = arith.addi %mul3A_744, %add3A_745 : i32
      %swap3A_747 = arith.index_cast %add3A_746 : i32 to index
      %swap3A_748 = arith.constant 80 : index
      %swap3A_749 = tpu.vector_load %arg9[%swap3A_747, %swap3A_748] {strides = array<i32>} : memref<64x128xf32, #tpu.memory_space<vmem>>, vector<1x16xf32>,
      %swap3A_750 = vector.shape_cast %swap3A_749 : vector<1x16xf32> to vector<16xf32>
      %swap3A_751 = vector.shape_cast %broadcast_in_dim3A_64 : vector<16xf32> to vector<1x16xf32>
      tpu.vector_store %arg9[%swap3A_747, %swap3A_748], %swap3A_751 {strides = array<i32>} : memref<64x128xf32, #tpu.memory_space<vmem>>, vector<1x16xf32>,
      %mul3A_752 = arith.constant 8 : i32
      %mul3A_753 = arith.muli %scan3A_337, %mul3A_752 : i32
      %add3A_754 = arith.constant 5 : i32
      %add3A_755 = arith.addi %mul3A_753, %add3A_754 : i32
      %swap3A_756 = arith.index_cast %add3A_755 : i32 to index
      %swap3A_757 = arith.constant 96 : index
      %swap3A_758 = tpu.vector_load %arg9[%swap3A_756, %swap3A_757] {strides = array<i32>} : memref<64x128xf32, #tpu.memory_space<vmem>>, vector<1x16xf32>,
      %swap3A_759 = vector.shape_cast %swap3A_758 : vector<1x16xf32> to vector<16xf32>
      %swap3A_760 = vector.shape_cast %broadcast_in_dim3A_64 : vector<16xf32> to vector<1x16xf32>
      tpu.vector_store %arg9[%swap3A_756, %swap3A_757], %swap3A_760 {strides = array<i32>} : memref<64x128xf32, #tpu.memory_space<vmem>>, vector<1x16xf32>,
      %mul3A_761 = arith.constant 8 : i32
      %mul3A_762 = arith.muli %scan3A_337, %mul3A_761 : i32
      %add3A_763 = arith.constant 5 : i32
      %add3A_764 = arith.addi %mul3A_762, %add3A_763 : i32
      %swap3A_765 = arith.index_cast %add3A_764 : i32 to index
      %swap3A_766 = arith.constant 112 : index
      %swap3A_767 = tpu.vector_load %arg9[%swap3A_765, %swap3A_766] {strides = array<i32>} : memref<64x128xf32, #tpu.memory_space<vmem>>, vector<1x16xf32>,
      %swap3A_768 = vector.shape_cast %swap3A_767 : vector<1x16xf32> to vector<16xf32>
      %swap3A_769 = vector.shape_cast %broadcast_in_dim3A_64 : vector<16xf32> to vector<1x16xf32>
      tpu.vector_store %arg9[%swap3A_765, %swap3A_766], %swap3A_769 {strides = array<i32>} : memref<64x128xf32, #tpu.memory_space<vmem>>, vector<1x16xf32>,
      %mul3A_770 = arith.constant 8 : i32
      %mul3A_771 = arith.muli %scan3A_337, %mul3A_770 : i32
      %add3A_772 = arith.constant 6 : i32
      %add3A_773 = arith.addi %mul3A_771, %add3A_772 : i32
      %swap3A_774 = arith.index_cast %add3A_773 : i32 to index
      %swap3A_775 = arith.constant 0 : index
      %swap3A_776 = tpu.vector_load %arg9[%swap3A_774, %swap3A_775] {strides = array<i32>} : memref<64x128xf32, #tpu.memory_space<vmem>>, vector<1x16xf32>,
      %swap3A_777 = vector.shape_cast %swap3A_776 : vector<1x16xf32> to vector<16xf32>
      %swap3A_778 = vector.shape_cast %broadcast_in_dim3A_64 : vector<16xf32> to vector<1x16xf32>
      tpu.vector_store %arg9[%swap3A_774, %swap3A_775], %swap3A_778 {strides = array<i32>} : memref<64x128xf32, #tpu.memory_space<vmem>>, vector<1x16xf32>,
      %mul3A_779 = arith.constant 8 : i32
      %mul3A_780 = arith.muli %scan3A_337, %mul3A_779 : i32
      %add3A_781 = arith.constant 6 : i32
      %add3A_782 = arith.addi %mul3A_780, %add3A_781 : i32
      %swap3A_783 = arith.index_cast %add3A_782 : i32 to index
      %swap3A_784 = arith.constant 16 : index
      %swap3A_785 = tpu.vector_load %arg9[%swap3A_783, %swap3A_784] {strides = array<i32>} : memref<64x128xf32, #tpu.memory_space<vmem>>, vector<1x16xf32>,
      %swap3A_786 = vector.shape_cast %swap3A_785 : vector<1x16xf32> to vector<16xf32>
      %swap3A_787 = vector.shape_cast %broadcast_in_dim3A_64 : vector<16xf32> to vector<1x16xf32>
      tpu.vector_store %arg9[%swap3A_783, %swap3A_784], %swap3A_787 {strides = array<i32>} : memref<64x128xf32, #tpu.memory_space<vmem>>, vector<1x16xf32>,
      %mul3A_788 = arith.constant 8 : i32
      %mul3A_789 = arith.muli %scan3A_337, %mul3A_788 : i32
      %add3A_790 = arith.constant 6 : i32
      %add3A_791 = arith.addi %mul3A_789, %add3A_790 : i32
      %swap3A_792 = arith.index_cast %add3A_791 : i32 to index
      %swap3A_793 = arith.constant 32 : index
      %swap3A_794 = tpu.vector_load %arg9[%swap3A_792, %swap3A_793] {strides = array<i32>} : memref<64x128xf32, #tpu.memory_space<vmem>>, vector<1x16xf32>,
      %swap3A_795 = vector.shape_cast %swap3A_794 : vector<1x16xf32> to vector<16xf32>
      %swap3A_796 = vector.shape_cast %broadcast_in_dim3A_64 : vector<16xf32> to vector<1x16xf32>
      tpu.vector_store %arg9[%swap3A_792, %swap3A_793], %swap3A_796 {strides = array<i32>} : memref<64x128xf32, #tpu.memory_space<vmem>>, vector<1x16xf32>,
      %mul3A_797 = arith.constant 8 : i32
      %mul3A_798 = arith.muli %scan3A_337, %mul3A_797 : i32
      %add3A_799 = arith.constant 6 : i32
      %add3A_800 = arith.addi %mul3A_798, %add3A_799 : i32
      %swap3A_801 = arith.index_cast %add3A_800 : i32 to index
      %swap3A_802 = arith.constant 48 : index
      %swap3A_803 = tpu.vector_load %arg9[%swap3A_801, %swap3A_802] {strides = array<i32>} : memref<64x128xf32, #tpu.memory_space<vmem>>, vector<1x16xf32>,
      %swap3A_804 = vector.shape_cast %swap3A_803 : vector<1x16xf32> to vector<16xf32>
      %swap3A_805 = vector.shape_cast %broadcast_in_dim3A_64 : vector<16xf32> to vector<1x16xf32>
      tpu.vector_store %arg9[%swap3A_801, %swap3A_802], %swap3A_805 {strides = array<i32>} : memref<64x128xf32, #tpu.memory_space<vmem>>, vector<1x16xf32>,
      %mul3A_806 = arith.constant 8 : i32
      %mul3A_807 = arith.muli %scan3A_337, %mul3A_806 : i32
      %add3A_808 = arith.constant 6 : i32
      %add3A_809 = arith.addi %mul3A_807, %add3A_808 : i32
      %swap3A_810 = arith.index_cast %add3A_809 : i32 to index
      %swap3A_811 = arith.constant 64 : index
      %swap3A_812 = tpu.vector_load %arg9[%swap3A_810, %swap3A_811] {strides = array<i32>} : memref<64x128xf32, #tpu.memory_space<vmem>>, vector<1x16xf32>,
      %swap3A_813 = vector.shape_cast %swap3A_812 : vector<1x16xf32> to vector<16xf32>
      %swap3A_814 = vector.shape_cast %broadcast_in_dim3A_64 : vector<16xf32> to vector<1x16xf32>
      tpu.vector_store %arg9[%swap3A_810, %swap3A_811], %swap3A_814 {strides = array<i32>} : memref<64x128xf32, #tpu.memory_space<vmem>>, vector<1x16xf32>,
      %mul3A_815 = arith.constant 8 : i32
      %mul3A_816 = arith.muli %scan3A_337, %mul3A_815 : i32
      %add3A_817 = arith.constant 6 : i32
      %add3A_818 = arith.addi %mul3A_816, %add3A_817 : i32
      %swap3A_819 = arith.index_cast %add3A_818 : i32 to index
      %swap3A_820 = arith.constant 80 : index
      %swap3A_821 = tpu.vector_load %arg9[%swap3A_819, %swap3A_820] {strides = array<i32>} : memref<64x128xf32, #tpu.memory_space<vmem>>, vector<1x16xf32>,
      %swap3A_822 = vector.shape_cast %swap3A_821 : vector<1x16xf32> to vector<16xf32>
      %swap3A_823 = vector.shape_cast %broadcast_in_dim3A_64 : vector<16xf32> to vector<1x16xf32>
      tpu.vector_store %arg9[%swap3A_819, %swap3A_820], %swap3A_823 {strides = array<i32>} : memref<64x128xf32, #tpu.memory_space<vmem>>, vector<1x16xf32>,
      %mul3A_824 = arith.constant 8 : i32
      %mul3A_825 = arith.muli %scan3A_337, %mul3A_824 : i32
      %add3A_826 = arith.constant 6 : i32
      %add3A_827 = arith.addi %mul3A_825, %add3A_826 : i32
      %swap3A_828 = arith.index_cast %add3A_827 : i32 to index
      %swap3A_829 = arith.constant 96 : index
      %swap3A_830 = tpu.vector_load %arg9[%swap3A_828, %swap3A_829] {strides = array<i32>} : memref<64x128xf32, #tpu.memory_space<vmem>>, vector<1x16xf32>,
      %swap3A_831 = vector.shape_cast %swap3A_830 : vector<1x16xf32> to vector<16xf32>
      %swap3A_832 = vector.shape_cast %broadcast_in_dim3A_64 : vector<16xf32> to vector<1x16xf32>
      tpu.vector_store %arg9[%swap3A_828, %swap3A_829], %swap3A_832 {strides = array<i32>} : memref<64x128xf32, #tpu.memory_space<vmem>>, vector<1x16xf32>,
      %mul3A_833 = arith.constant 8 : i32
      %mul3A_834 = arith.muli %scan3A_337, %mul3A_833 : i32
      %add3A_835 = arith.constant 6 : i32
      %add3A_836 = arith.addi %mul3A_834, %add3A_835 : i32
      %swap3A_837 = arith.index_cast %add3A_836 : i32 to index
      %swap3A_838 = arith.constant 112 : index
      %swap3A_839 = tpu.vector_load %arg9[%swap3A_837, %swap3A_838] {strides = array<i32>} : memref<64x128xf32, #tpu.memory_space<vmem>>, vector<1x16xf32>,
      %swap3A_840 = vector.shape_cast %swap3A_839 : vector<1x16xf32> to vector<16xf32>
      %swap3A_841 = vector.shape_cast %broadcast_in_dim3A_64 : vector<16xf32> to vector<1x16xf32>
      tpu.vector_store %arg9[%swap3A_837, %swap3A_838], %swap3A_841 {strides = array<i32>} : memref<64x128xf32, #tpu.memory_space<vmem>>, vector<1x16xf32>,
      %mul3A_842 = arith.constant 8 : i32
      %mul3A_843 = arith.muli %scan3A_337, %mul3A_842 : i32
      %add3A_844 = arith.constant 7 : i32
      %add3A_845 = arith.addi %mul3A_843, %add3A_844 : i32
      %swap3A_846 = arith.index_cast %add3A_845 : i32 to index
      %swap3A_847 = arith.constant 0 : index
      %swap3A_848 = tpu.vector_load %arg9[%swap3A_846, %swap3A_847] {strides = array<i32>} : memref<64x128xf32, #tpu.memory_space<vmem>>, vector<1x16xf32>,
      %swap3A_849 = vector.shape_cast %swap3A_848 : vector<1x16xf32> to vector<16xf32>
      %swap3A_850 = vector.shape_cast %broadcast_in_dim3A_64 : vector<16xf32> to vector<1x16xf32>
      tpu.vector_store %arg9[%swap3A_846, %swap3A_847], %swap3A_850 {strides = array<i32>} : memref<64x128xf32, #tpu.memory_space<vmem>>, vector<1x16xf32>,
      %mul3A_851 = arith.constant 8 : i32
      %mul3A_852 = arith.muli %scan3A_337, %mul3A_851 : i32
      %add3A_853 = arith.constant 7 : i32
      %add3A_854 = arith.addi %mul3A_852, %add3A_853 : i32
      %swap3A_855 = arith.index_cast %add3A_854 : i32 to index
      %swap3A_856 = arith.constant 16 : index
      %swap3A_857 = tpu.vector_load %arg9[%swap3A_855, %swap3A_856] {strides = array<i32>} : memref<64x128xf32, #tpu.memory_space<vmem>>, vector<1x16xf32>,
      %swap3A_858 = vector.shape_cast %swap3A_857 : vector<1x16xf32> to vector<16xf32>
      %swap3A_859 = vector.shape_cast %broadcast_in_dim3A_64 : vector<16xf32> to vector<1x16xf32>
      tpu.vector_store %arg9[%swap3A_855, %swap3A_856], %swap3A_859 {strides = array<i32>} : memref<64x128xf32, #tpu.memory_space<vmem>>, vector<1x16xf32>,
      %mul3A_860 = arith.constant 8 : i32
      %mul3A_861 = arith.muli %scan3A_337, %mul3A_860 : i32
      %add3A_862 = arith.constant 7 : i32
      %add3A_863 = arith.addi %mul3A_861, %add3A_862 : i32
      %swap3A_864 = arith.index_cast %add3A_863 : i32 to index
      %swap3A_865 = arith.constant 32 : index
      %swap3A_866 = tpu.vector_load %arg9[%swap3A_864, %swap3A_865] {strides = array<i32>} : memref<64x128xf32, #tpu.memory_space<vmem>>, vector<1x16xf32>,
      %swap3A_867 = vector.shape_cast %swap3A_866 : vector<1x16xf32> to vector<16xf32>
      %swap3A_868 = vector.shape_cast %broadcast_in_dim3A_64 : vector<16xf32> to vector<1x16xf32>
      tpu.vector_store %arg9[%swap3A_864, %swap3A_865], %swap3A_868 {strides = array<i32>} : memref<64x128xf32, #tpu.memory_space<vmem>>, vector<1x16xf32>,
      %mul3A_869 = arith.constant 8 : i32
      %mul3A_870 = arith.muli %scan3A_337, %mul3A_869 : i32
      %add3A_871 = arith.constant 7 : i32
      %add3A_872 = arith.addi %mul3A_870, %add3A_871 : i32
      %swap3A_873 = arith.index_cast %add3A_872 : i32 to index
      %swap3A_874 = arith.constant 48 : index
      %swap3A_875 = tpu.vector_load %arg9[%swap3A_873, %swap3A_874] {strides = array<i32>} : memref<64x128xf32, #tpu.memory_space<vmem>>, vector<1x16xf32>,
      %swap3A_876 = vector.shape_cast %swap3A_875 : vector<1x16xf32> to vector<16xf32>
      %swap3A_877 = vector.shape_cast %broadcast_in_dim3A_64 : vector<16xf32> to vector<1x16xf32>
      tpu.vector_store %arg9[%swap3A_873, %swap3A_874], %swap3A_877 {strides = array<i32>} : memref<64x128xf32, #tpu.memory_space<vmem>>, vector<1x16xf32>,
      %mul3A_878 = arith.constant 8 : i32
      %mul3A_879 = arith.muli %scan3A_337, %mul3A_878 : i32
      %add3A_880 = arith.constant 7 : i32
      %add3A_881 = arith.addi %mul3A_879, %add3A_880 : i32
      %swap3A_882 = arith.index_cast %add3A_881 : i32 to index
      %swap3A_883 = arith.constant 64 : index
      %swap3A_884 = tpu.vector_load %arg9[%swap3A_882, %swap3A_883] {strides = array<i32>} : memref<64x128xf32, #tpu.memory_space<vmem>>, vector<1x16xf32>,
      %swap3A_885 = vector.shape_cast %swap3A_884 : vector<1x16xf32> to vector<16xf32>
      %swap3A_886 = vector.shape_cast %broadcast_in_dim3A_64 : vector<16xf32> to vector<1x16xf32>
      tpu.vector_store %arg9[%swap3A_882, %swap3A_883], %swap3A_886 {strides = array<i32>} : memref<64x128xf32, #tpu.memory_space<vmem>>, vector<1x16xf32>,
      %mul3A_887 = arith.constant 8 : i32
      %mul3A_888 = arith.muli %scan3A_337, %mul3A_887 : i32
      %add3A_889 = arith.constant 7 : i32
      %add3A_890 = arith.addi %mul3A_888, %add3A_889 : i32
      %swap3A_891 = arith.index_cast %add3A_890 : i32 to index
      %swap3A_892 = arith.constant 80 : index
      %swap3A_893 = tpu.vector_load %arg9[%swap3A_891, %swap3A_892] {strides = array<i32>} : memref<64x128xf32, #tpu.memory_space<vmem>>, vector<1x16xf32>,
      %swap3A_894 = vector.shape_cast %swap3A_893 : vector<1x16xf32> to vector<16xf32>
      %swap3A_895 = vector.shape_cast %broadcast_in_dim3A_64 : vector<16xf32> to vector<1x16xf32>
      tpu.vector_store %arg9[%swap3A_891, %swap3A_892], %swap3A_895 {strides = array<i32>} : memref<64x128xf32, #tpu.memory_space<vmem>>, vector<1x16xf32>,
      %mul3A_896 = arith.constant 8 : i32
      %mul3A_897 = arith.muli %scan3A_337, %mul3A_896 : i32
      %add3A_898 = arith.constant 7 : i32
      %add3A_899 = arith.addi %mul3A_897, %add3A_898 : i32
      %swap3A_900 = arith.index_cast %add3A_899 : i32 to index
      %swap3A_901 = arith.constant 96 : index
      %swap3A_902 = tpu.vector_load %arg9[%swap3A_900, %swap3A_901] {strides = array<i32>} : memref<64x128xf32, #tpu.memory_space<vmem>>, vector<1x16xf32>,
      %swap3A_903 = vector.shape_cast %swap3A_902 : vector<1x16xf32> to vector<16xf32>
      %swap3A_904 = vector.shape_cast %broadcast_in_dim3A_64 : vector<16xf32> to vector<1x16xf32>
      tpu.vector_store %arg9[%swap3A_900, %swap3A_901], %swap3A_904 {strides = array<i32>} : memref<64x128xf32, #tpu.memory_space<vmem>>, vector<1x16xf32>,
      %mul3A_905 = arith.constant 8 : i32
      %mul3A_906 = arith.muli %scan3A_337, %mul3A_905 : i32
      %add3A_907 = arith.constant 7 : i32
      %add3A_908 = arith.addi %mul3A_906, %add3A_907 : i32
      %swap3A_909 = arith.index_cast %add3A_908 : i32 to index
      %swap3A_910 = arith.constant 112 : index
      %swap3A_911 = tpu.vector_load %arg9[%swap3A_909, %swap3A_910] {strides = array<i32>} : memref<64x128xf32, #tpu.memory_space<vmem>>, vector<1x16xf32>,
      %swap3A_912 = vector.shape_cast %swap3A_911 : vector<1x16xf32> to vector<16xf32>
      %swap3A_913 = vector.shape_cast %broadcast_in_dim3A_64 : vector<16xf32> to vector<1x16xf32>
      tpu.vector_store %arg9[%swap3A_909, %swap3A_910], %swap3A_913 {strides = array<i32>} : memref<64x128xf32, #tpu.memory_space<vmem>>, vector<1x16xf32>,
      %scan3A_914 = arith.constant 0 : i32
      scf.yield %scan3A_914 : i32
    }
    %scan3A_70 = arith.constant 8 : i32
    %broadcast_in_dim3A_71 = arith.constant 0.000000e+00 : f32
    %broadcast_in_dim3A_72 = vector.broadcast %broadcast_in_dim3A_71 : f32 to vector<16xf32>
    %scan3A_73 = arith.constant 0 : i32
    %scan3A_74 = arith.constant 0 : i32
    %scan3A_75 = arith.constant 8 : i32
    %scan3A_76 = arith.addi %scan3A_74, %scan3A_75 : i32
    %scan3A_77 = arith.constant 1 : i32
    %scan3A_78 = scf.for %scan3A_337 = %scan3A_74 to %scan3A_76 step %scan3A_77 iter_args(%scan3A_338 = %scan3A_73) -> (i32)  : i32 {
      %mul3A_339 = arith.constant 8 : i32
      %mul3A_340 = arith.muli %scan3A_337, %mul3A_339 : i32
      %add3A_341 = arith.constant 0 : i32
      %add3A_342 = arith.addi %mul3A_340, %add3A_341 : i32
      %swap3A = arith.index_cast %add3A_342 : i32 to index
      %swap3A_343 = arith.constant 0 : index
      %swap3A_344 = tpu.vector_load %arg10[%swap3A, %swap3A_343] {strides = array<i32>} : memref<64x16xf32, #tpu.memory_space<vmem>>, vector<1x16xf32>,
      %swap3A_345 = vector.shape_cast %swap3A_344 : vector<1x16xf32> to vector<16xf32>
      %swap3A_346 = vector.shape_cast %broadcast_in_dim3A_72 : vector<16xf32> to vector<1x16xf32>
      tpu.vector_store %arg10[%swap3A, %swap3A_343], %swap3A_346 {strides = array<i32>} : memref<64x16xf32, #tpu.memory_space<vmem>>, vector<1x16xf32>,
      %mul3A_347 = arith.constant 8 : i32
      %mul3A_348 = arith.muli %scan3A_337, %mul3A_347 : i32
      %add3A_349 = arith.constant 1 : i32
      %add3A_350 = arith.addi %mul3A_348, %add3A_349 : i32
      %swap3A_351 = arith.index_cast %add3A_350 : i32 to index
      %swap3A_352 = arith.constant 0 : index
      %swap3A_353 = tpu.vector_load %arg10[%swap3A_351, %swap3A_352] {strides = array<i32>} : memref<64x16xf32, #tpu.memory_space<vmem>>, vector<1x16xf32>,
      %swap3A_354 = vector.shape_cast %swap3A_353 : vector<1x16xf32> to vector<16xf32>
      %swap3A_355 = vector.shape_cast %broadcast_in_dim3A_72 : vector<16xf32> to vector<1x16xf32>
      tpu.vector_store %arg10[%swap3A_351, %swap3A_352], %swap3A_355 {strides = array<i32>} : memref<64x16xf32, #tpu.memory_space<vmem>>, vector<1x16xf32>,
      %mul3A_356 = arith.constant 8 : i32
      %mul3A_357 = arith.muli %scan3A_337, %mul3A_356 : i32
      %add3A_358 = arith.constant 2 : i32
      %add3A_359 = arith.addi %mul3A_357, %add3A_358 : i32
      %swap3A_360 = arith.index_cast %add3A_359 : i32 to index
      %swap3A_361 = arith.constant 0 : index
      %swap3A_362 = tpu.vector_load %arg10[%swap3A_360, %swap3A_361] {strides = array<i32>} : memref<64x16xf32, #tpu.memory_space<vmem>>, vector<1x16xf32>,
      %swap3A_363 = vector.shape_cast %swap3A_362 : vector<1x16xf32> to vector<16xf32>
      %swap3A_364 = vector.shape_cast %broadcast_in_dim3A_72 : vector<16xf32> to vector<1x16xf32>
      tpu.vector_store %arg10[%swap3A_360, %swap3A_361], %swap3A_364 {strides = array<i32>} : memref<64x16xf32, #tpu.memory_space<vmem>>, vector<1x16xf32>,
      %mul3A_365 = arith.constant 8 : i32
      %mul3A_366 = arith.muli %scan3A_337, %mul3A_365 : i32
      %add3A_367 = arith.constant 3 : i32
      %add3A_368 = arith.addi %mul3A_366, %add3A_367 : i32
      %swap3A_369 = arith.index_cast %add3A_368 : i32 to index
      %swap3A_370 = arith.constant 0 : index
      %swap3A_371 = tpu.vector_load %arg10[%swap3A_369, %swap3A_370] {strides = array<i32>} : memref<64x16xf32, #tpu.memory_space<vmem>>, vector<1x16xf32>,
      %swap3A_372 = vector.shape_cast %swap3A_371 : vector<1x16xf32> to vector<16xf32>
      %swap3A_373 = vector.shape_cast %broadcast_in_dim3A_72 : vector<16xf32> to vector<1x16xf32>
      tpu.vector_store %arg10[%swap3A_369, %swap3A_370], %swap3A_373 {strides = array<i32>} : memref<64x16xf32, #tpu.memory_space<vmem>>, vector<1x16xf32>,
      %mul3A_374 = arith.constant 8 : i32
      %mul3A_375 = arith.muli %scan3A_337, %mul3A_374 : i32
      %add3A_376 = arith.constant 4 : i32
      %add3A_377 = arith.addi %mul3A_375, %add3A_376 : i32
      %swap3A_378 = arith.index_cast %add3A_377 : i32 to index
      %swap3A_379 = arith.constant 0 : index
      %swap3A_380 = tpu.vector_load %arg10[%swap3A_378, %swap3A_379] {strides = array<i32>} : memref<64x16xf32, #tpu.memory_space<vmem>>, vector<1x16xf32>,
      %swap3A_381 = vector.shape_cast %swap3A_380 : vector<1x16xf32> to vector<16xf32>
      %swap3A_382 = vector.shape_cast %broadcast_in_dim3A_72 : vector<16xf32> to vector<1x16xf32>
      tpu.vector_store %arg10[%swap3A_378, %swap3A_379], %swap3A_382 {strides = array<i32>} : memref<64x16xf32, #tpu.memory_space<vmem>>, vector<1x16xf32>,
      %mul3A_383 = arith.constant 8 : i32
      %mul3A_384 = arith.muli %scan3A_337, %mul3A_383 : i32
      %add3A_385 = arith.constant 5 : i32
      %add3A_386 = arith.addi %mul3A_384, %add3A_385 : i32
      %swap3A_387 = arith.index_cast %add3A_386 : i32 to index
      %swap3A_388 = arith.constant 0 : index
      %swap3A_389 = tpu.vector_load %arg10[%swap3A_387, %swap3A_388] {strides = array<i32>} : memref<64x16xf32, #tpu.memory_space<vmem>>, vector<1x16xf32>,
      %swap3A_390 = vector.shape_cast %swap3A_389 : vector<1x16xf32> to vector<16xf32>
      %swap3A_391 = vector.shape_cast %broadcast_in_dim3A_72 : vector<16xf32> to vector<1x16xf32>
      tpu.vector_store %arg10[%swap3A_387, %swap3A_388], %swap3A_391 {strides = array<i32>} : memref<64x16xf32, #tpu.memory_space<vmem>>, vector<1x16xf32>,
      %mul3A_392 = arith.constant 8 : i32
      %mul3A_393 = arith.muli %scan3A_337, %mul3A_392 : i32
      %add3A_394 = arith.constant 6 : i32
      %add3A_395 = arith.addi %mul3A_393, %add3A_394 : i32
      %swap3A_396 = arith.index_cast %add3A_395 : i32 to index
      %swap3A_397 = arith.constant 0 : index
      %swap3A_398 = tpu.vector_load %arg10[%swap3A_396, %swap3A_397] {strides = array<i32>} : memref<64x16xf32, #tpu.memory_space<vmem>>, vector<1x16xf32>,
      %swap3A_399 = vector.shape_cast %swap3A_398 : vector<1x16xf32> to vector<16xf32>
      %swap3A_400 = vector.shape_cast %broadcast_in_dim3A_72 : vector<16xf32> to vector<1x16xf32>
      tpu.vector_store %arg10[%swap3A_396, %swap3A_397], %swap3A_400 {strides = array<i32>} : memref<64x16xf32, #tpu.memory_space<vmem>>, vector<1x16xf32>,
      %mul3A_401 = arith.constant 8 : i32
      %mul3A_402 = arith.muli %scan3A_337, %mul3A_401 : i32
      %add3A_403 = arith.constant 7 : i32
      %add3A_404 = arith.addi %mul3A_402, %add3A_403 : i32
      %swap3A_405 = arith.index_cast %add3A_404 : i32 to index
      %swap3A_406 = arith.constant 0 : index
      %swap3A_407 = tpu.vector_load %arg10[%swap3A_405, %swap3A_406] {strides = array<i32>} : memref<64x16xf32, #tpu.memory_space<vmem>>, vector<1x16xf32>,
      %swap3A_408 = vector.shape_cast %swap3A_407 : vector<1x16xf32> to vector<16xf32>
      %swap3A_409 = vector.shape_cast %broadcast_in_dim3A_72 : vector<16xf32> to vector<1x16xf32>
      tpu.vector_store %arg10[%swap3A_405, %swap3A_406], %swap3A_409 {strides = array<i32>} : memref<64x16xf32, #tpu.memory_space<vmem>>, vector<1x16xf32>,
      %scan3A_410 = arith.constant 0 : i32
      scf.yield %scan3A_410 : i32
    }
    %scan3A_79 = arith.constant 8 : i32
    %broadcast_in_dim3A_80 = arith.constant 1.000000e+00 : f32
    %broadcast_in_dim3A_81 = vector.broadcast %broadcast_in_dim3A_80 : f32 to vector<16xf32>
    %scan3A_82 = arith.constant 0 : i32
    %scan3A_83 = arith.constant 0 : i32
    %scan3A_84 = arith.constant 16 : i32
    %scan3A_85 = arith.addi %scan3A_83, %scan3A_84 : i32
    %scan3A_86 = arith.constant 1 : i32
    %scan3A_87 = scf.for %scan3A_337 = %scan3A_83 to %scan3A_85 step %scan3A_86 iter_args(%scan3A_338 = %scan3A_82) -> (i32)  : i32 {
      %mul3A_339 = arith.constant 8 : i32
      %mul3A_340 = arith.muli %scan3A_337, %mul3A_339 : i32
      %add3A_341 = arith.constant 0 : i32
      %add3A_342 = arith.addi %mul3A_340, %add3A_341 : i32
      %swap3A = arith.index_cast %add3A_342 : i32 to index
      %swap3A_343 = arith.constant 0 : index
      %swap3A_344 = tpu.vector_load %arg8[%swap3A, %swap3A_343] {strides = array<i32>} : memref<128x16xf32, #tpu.memory_space<vmem>>, vector<1x16xf32>,
      %swap3A_345 = vector.shape_cast %swap3A_344 : vector<1x16xf32> to vector<16xf32>
      %swap3A_346 = vector.shape_cast %broadcast_in_dim3A_81 : vector<16xf32> to vector<1x16xf32>
      tpu.vector_store %arg8[%swap3A, %swap3A_343], %swap3A_346 {strides = array<i32>} : memref<128x16xf32, #tpu.memory_space<vmem>>, vector<1x16xf32>,
      %mul3A_347 = arith.constant 8 : i32
      %mul3A_348 = arith.muli %scan3A_337, %mul3A_347 : i32
      %add3A_349 = arith.constant 1 : i32
      %add3A_350 = arith.addi %mul3A_348, %add3A_349 : i32
      %swap3A_351 = arith.index_cast %add3A_350 : i32 to index
      %swap3A_352 = arith.constant 0 : index
      %swap3A_353 = tpu.vector_load %arg8[%swap3A_351, %swap3A_352] {strides = array<i32>} : memref<128x16xf32, #tpu.memory_space<vmem>>, vector<1x16xf32>,
      %swap3A_354 = vector.shape_cast %swap3A_353 : vector<1x16xf32> to vector<16xf32>
      %swap3A_355 = vector.shape_cast %broadcast_in_dim3A_81 : vector<16xf32> to vector<1x16xf32>
      tpu.vector_store %arg8[%swap3A_351, %swap3A_352], %swap3A_355 {strides = array<i32>} : memref<128x16xf32, #tpu.memory_space<vmem>>, vector<1x16xf32>,
      %mul3A_356 = arith.constant 8 : i32
      %mul3A_357 = arith.muli %scan3A_337, %mul3A_356 : i32
      %add3A_358 = arith.constant 2 : i32
      %add3A_359 = arith.addi %mul3A_357, %add3A_358 : i32
      %swap3A_360 = arith.index_cast %add3A_359 : i32 to index
      %swap3A_361 = arith.constant 0 : index
      %swap3A_362 = tpu.vector_load %arg8[%swap3A_360, %swap3A_361] {strides = array<i32>} : memref<128x16xf32, #tpu.memory_space<vmem>>, vector<1x16xf32>,
      %swap3A_363 = vector.shape_cast %swap3A_362 : vector<1x16xf32> to vector<16xf32>
      %swap3A_364 = vector.shape_cast %broadcast_in_dim3A_81 : vector<16xf32> to vector<1x16xf32>
      tpu.vector_store %arg8[%swap3A_360, %swap3A_361], %swap3A_364 {strides = array<i32>} : memref<128x16xf32, #tpu.memory_space<vmem>>, vector<1x16xf32>,
      %mul3A_365 = arith.constant 8 : i32
      %mul3A_366 = arith.muli %scan3A_337, %mul3A_365 : i32
      %add3A_367 = arith.constant 3 : i32
      %add3A_368 = arith.addi %mul3A_366, %add3A_367 : i32
      %swap3A_369 = arith.index_cast %add3A_368 : i32 to index
      %swap3A_370 = arith.constant 0 : index
      %swap3A_371 = tpu.vector_load %arg8[%swap3A_369, %swap3A_370] {strides = array<i32>} : memref<128x16xf32, #tpu.memory_space<vmem>>, vector<1x16xf32>,
      %swap3A_372 = vector.shape_cast %swap3A_371 : vector<1x16xf32> to vector<16xf32>
      %swap3A_373 = vector.shape_cast %broadcast_in_dim3A_81 : vector<16xf32> to vector<1x16xf32>
      tpu.vector_store %arg8[%swap3A_369, %swap3A_370], %swap3A_373 {strides = array<i32>} : memref<128x16xf32, #tpu.memory_space<vmem>>, vector<1x16xf32>,
      %mul3A_374 = arith.constant 8 : i32
      %mul3A_375 = arith.muli %scan3A_337, %mul3A_374 : i32
      %add3A_376 = arith.constant 4 : i32
      %add3A_377 = arith.addi %mul3A_375, %add3A_376 : i32
      %swap3A_378 = arith.index_cast %add3A_377 : i32 to index
      %swap3A_379 = arith.constant 0 : index
      %swap3A_380 = tpu.vector_load %arg8[%swap3A_378, %swap3A_379] {strides = array<i32>} : memref<128x16xf32, #tpu.memory_space<vmem>>, vector<1x16xf32>,
      %swap3A_381 = vector.shape_cast %swap3A_380 : vector<1x16xf32> to vector<16xf32>
      %swap3A_382 = vector.shape_cast %broadcast_in_dim3A_81 : vector<16xf32> to vector<1x16xf32>
      tpu.vector_store %arg8[%swap3A_378, %swap3A_379], %swap3A_382 {strides = array<i32>} : memref<128x16xf32, #tpu.memory_space<vmem>>, vector<1x16xf32>,
      %mul3A_383 = arith.constant 8 : i32
      %mul3A_384 = arith.muli %scan3A_337, %mul3A_383 : i32
      %add3A_385 = arith.constant 5 : i32
      %add3A_386 = arith.addi %mul3A_384, %add3A_385 : i32
      %swap3A_387 = arith.index_cast %add3A_386 : i32 to index
      %swap3A_388 = arith.constant 0 : index
      %swap3A_389 = tpu.vector_load %arg8[%swap3A_387, %swap3A_388] {strides = array<i32>} : memref<128x16xf32, #tpu.memory_space<vmem>>, vector<1x16xf32>,
      %swap3A_390 = vector.shape_cast %swap3A_389 : vector<1x16xf32> to vector<16xf32>
      %swap3A_391 = vector.shape_cast %broadcast_in_dim3A_81 : vector<16xf32> to vector<1x16xf32>
      tpu.vector_store %arg8[%swap3A_387, %swap3A_388], %swap3A_391 {strides = array<i32>} : memref<128x16xf32, #tpu.memory_space<vmem>>, vector<1x16xf32>,
      %mul3A_392 = arith.constant 8 : i32
      %mul3A_393 = arith.muli %scan3A_337, %mul3A_392 : i32
      %add3A_394 = arith.constant 6 : i32
      %add3A_395 = arith.addi %mul3A_393, %add3A_394 : i32
      %swap3A_396 = arith.index_cast %add3A_395 : i32 to index
      %swap3A_397 = arith.constant 0 : index
      %swap3A_398 = tpu.vector_load %arg8[%swap3A_396, %swap3A_397] {strides = array<i32>} : memref<128x16xf32, #tpu.memory_space<vmem>>, vector<1x16xf32>,
      %swap3A_399 = vector.shape_cast %swap3A_398 : vector<1x16xf32> to vector<16xf32>
      %swap3A_400 = vector.shape_cast %broadcast_in_dim3A_81 : vector<16xf32> to vector<1x16xf32>
      tpu.vector_store %arg8[%swap3A_396, %swap3A_397], %swap3A_400 {strides = array<i32>} : memref<128x16xf32, #tpu.memory_space<vmem>>, vector<1x16xf32>,
      %mul3A_401 = arith.constant 8 : i32
      %mul3A_402 = arith.muli %scan3A_337, %mul3A_401 : i32
      %add3A_403 = arith.constant 7 : i32
      %add3A_404 = arith.addi %mul3A_402, %add3A_403 : i32
      %swap3A_405 = arith.index_cast %add3A_404 : i32 to index
      %swap3A_406 = arith.constant 0 : index
      %swap3A_407 = tpu.vector_load %arg8[%swap3A_405, %swap3A_406] {strides = array<i32>} : memref<128x16xf32, #tpu.memory_space<vmem>>, vector<1x16xf32>,
      %swap3A_408 = vector.shape_cast %swap3A_407 : vector<1x16xf32> to vector<16xf32>
      %swap3A_409 = vector.shape_cast %broadcast_in_dim3A_81 : vector<16xf32> to vector<1x16xf32>
      tpu.vector_store %arg8[%swap3A_405, %swap3A_406], %swap3A_409 {strides = array<i32>} : memref<128x16xf32, #tpu.memory_space<vmem>>, vector<1x16xf32>,
      %scan3A_410 = arith.constant 0 : i32
      scf.yield %scan3A_410 : i32
    }
    %scan3A_88 = arith.constant 16 : i32
    %mul3A_89 = arith.constant 64 : i32
    %mul3A_90 = arith.muli %arg1, %mul3A_89 : i32
    %dma_start3A_91 = arith.constant 0 : i32
    %dma_start3A_92 = tpu.memref_slice %arg11[%mul3A_90, %dma_start3A_91] : memref<1024x128xf32, #tpu.memory_space<vmem_shared>> -> memref<64x128xf32, #tpu.memory_space<vmem_shared>>
    %dma_start3A_93 = arith.constant 0 : i32
    %dma_start3A_94 = tpu.memref_slice %arg11[%mul3A_90, %dma_start3A_93] : memref<1024x128xf32, #tpu.memory_space<vmem_shared>> -> memref<64x128xf32, #tpu.memory_space<vmem_shared>>
    tpu.enqueue_dma source(%arg9 : memref<64x128xf32, #tpu.memory_space<vmem>>) target(%dma_start3A_94 : memref<64x128xf32, #tpu.memory_space<vmem_shared>>) target_semaphore(%arg17 : memref<!tpu.dma_semaphore, #tpu.memory_space<semaphore_mem>>)
    %mul3A_95 = arith.constant 64 : i32
    %mul3A_96 = arith.muli %arg1, %mul3A_95 : i32
    %dma_start3A_97 = arith.constant 0 : i32
    %dma_start3A_98 = tpu.memref_slice %arg12[%mul3A_96, %dma_start3A_97] : memref<1024x16xf32, #tpu.memory_space<vmem_shared>> -> memref<64x16xf32, #tpu.memory_space<vmem_shared>>
    %dma_start3A_99 = arith.constant 0 : i32
    %dma_start3A_100 = tpu.memref_slice %arg12[%mul3A_96, %dma_start3A_99] : memref<1024x16xf32, #tpu.memory_space<vmem_shared>> -> memref<64x16xf32, #tpu.memory_space<vmem_shared>>
    tpu.enqueue_dma source(%arg10 : memref<64x16xf32, #tpu.memory_space<vmem>>) target(%dma_start3A_100 : memref<64x16xf32, #tpu.memory_space<vmem_shared>>) target_semaphore(%arg17 : memref<!tpu.dma_semaphore, #tpu.memory_space<semaphore_mem>>)
    %dma_wait3A = arith.constant 0 : i32
    %dma_wait3A_101 = tpu.memref_slice %arg11[%mul3A_90, %dma_wait3A] : memref<1024x128xf32, #tpu.memory_space<vmem_shared>> -> memref<64x128xf32, #tpu.memory_space<vmem_shared>>
    %dma_wait3A_102 = arith.constant 0 : i32
    %dma_wait3A_103 = tpu.memref_slice %arg11[%mul3A_90, %dma_wait3A_102] : memref<1024x128xf32, #tpu.memory_space<vmem_shared>> -> memref<64x128xf32, #tpu.memory_space<vmem_shared>>
    tpu.wait_dma2 semaphore(%arg17 : memref<!tpu.dma_semaphore, #tpu.memory_space<semaphore_mem>>) src(%arg9 : memref<64x128xf32, #tpu.memory_space<vmem>>) dst(%dma_wait3A_103 : memref<64x128xf32, #tpu.memory_space<vmem_shared>>)
    %dma_wait3A_104 = arith.constant 0 : i32
    %dma_wait3A_105 = tpu.memref_slice %arg12[%mul3A_96, %dma_wait3A_104] : memref<1024x16xf32, #tpu.memory_space<vmem_shared>> -> memref<64x16xf32, #tpu.memory_space<vmem_shared>>
    %dma_wait3A_106 = arith.constant 0 : i32
    %dma_wait3A_107 = tpu.memref_slice %arg12[%mul3A_96, %dma_wait3A_106] : memref<1024x16xf32, #tpu.memory_space<vmem_shared>> -> memref<64x16xf32, #tpu.memory_space<vmem_shared>>
    tpu.wait_dma2 semaphore(%arg17 : memref<!tpu.dma_semaphore, #tpu.memory_space<semaphore_mem>>) src(%arg10 : memref<64x16xf32, #tpu.memory_space<vmem>>) dst(%dma_wait3A_107 : memref<64x16xf32, #tpu.memory_space<vmem_shared>>)
    %dma_wait3A_108 = arith.constant 0 : i32
    %dma_wait3A_109 = arith.constant 0 : i32
    %dma_wait3A_110 = tpu.memref_slice %arg3[%add3A, %dma_wait3A_108, %dma_wait3A_109] : memref<32x4x128xi32, #tpu.memory_space<hbm>> -> memref<1x4x128xi32, #tpu.memory_space<hbm>>
    %dma_wait3A_111 = tpu.memref_squeeze %dma_wait3A_110 : memref<1x4x128xi32, #tpu.memory_space<hbm>> -> memref<4x128xi32, #tpu.memory_space<hbm>>
    %dma_wait3A_112 = arith.constant 0 : i32
    %dma_wait3A_113 = arith.constant 0 : i32
    %dma_wait3A_114 = tpu.memref_slice %arg3[%add3A, %dma_wait3A_112, %dma_wait3A_113] : memref<32x4x128xi32, #tpu.memory_space<hbm>> -> memref<1x4x128xi32, #tpu.memory_space<hbm>>
    %dma_wait3A_115 = tpu.memref_squeeze %dma_wait3A_114 : memref<1x4x128xi32, #tpu.memory_space<hbm>> -> memref<4x128xi32, #tpu.memory_space<hbm>>
    tpu.wait_dma2 semaphore(%arg18 : memref<!tpu.dma_semaphore, #tpu.memory_space<semaphore_mem>>) src(%dma_wait3A_115 : memref<4x128xi32, #tpu.memory_space<hbm>>) dst(%arg7 : memref<4x128xi32, #tpu.memory_space<vmem>>)
    %barrier3A = arith.constant 0 : index
    tpu.barrier barrier_id(%barrier3A)
    %dma_wait3A_116 = arith.constant 0 : i32
    %dma_wait3A_117 = arith.constant 0 : i32
    %dma_wait3A_118 = tpu.memref_slice %arg6[%dma_wait3A_116, %dma_wait3A_117] : memref<512x128xf32, #tpu.memory_space<vmem>> -> memref<128x128xf32, #tpu.memory_space<vmem>>
    %dma_wait3A_119 = arith.constant 0 : i32
    %dma_wait3A_120 = arith.constant 0 : i32
    %dma_wait3A_121 = tpu.memref_slice %arg2[%add3A, %dma_wait3A_119, %dma_wait3A_120] : memref<32x512x128xf32, #tpu.memory_space<hbm>> -> memref<1x128x128xf32, #tpu.memory_space<hbm>>
    %dma_wait3A_122 = tpu.memref_squeeze %dma_wait3A_121 : memref<1x128x128xf32, #tpu.memory_space<hbm>> -> memref<128x128xf32, #tpu.memory_space<hbm>>
    %dma_wait3A_123 = arith.constant 0 : i32
    %dma_wait3A_124 = arith.constant 0 : i32
    %dma_wait3A_125 = tpu.memref_slice %arg6[%dma_wait3A_123, %dma_wait3A_124] : memref<512x128xf32, #tpu.memory_space<vmem>> -> memref<128x128xf32, #tpu.memory_space<vmem>>
    %dma_wait3A_126 = arith.constant 0 : i32
    %dma_wait3A_127 = arith.constant 0 : i32
    %dma_wait3A_128 = tpu.memref_slice %arg2[%add3A, %dma_wait3A_126, %dma_wait3A_127] : memref<32x512x128xf32, #tpu.memory_space<hbm>> -> memref<1x128x128xf32, #tpu.memory_space<hbm>>
    %dma_wait3A_129 = tpu.memref_squeeze %dma_wait3A_128 : memref<1x128x128xf32, #tpu.memory_space<hbm>> -> memref<128x128xf32, #tpu.memory_space<hbm>>
    tpu.wait_dma2 semaphore(%arg13 : memref<!tpu.dma_semaphore, #tpu.memory_space<semaphore_mem>>) src(%dma_wait3A_129 : memref<128x128xf32, #tpu.memory_space<hbm>>) dst(%dma_wait3A_125 : memref<128x128xf32, #tpu.memory_space<vmem>>)
    %dma_start3A_130 = arith.constant 0 : i32
    %dma_start3A_131 = arith.constant 0 : i32
    %dma_start3A_132 = arith.constant 0 : i32
    %dma_start3A_133 = tpu.memref_slice %arg6[%dma_start3A_131, %dma_start3A_132] : memref<512x128xf32, #tpu.memory_space<vmem>> -> memref<128x128xf32, #tpu.memory_space<vmem>>
    %dma_start3A_134 = arith.constant 0 : i32
    %dma_start3A_135 = tpu.memref_slice %arg7[%dma_start3A_130, %dma_start3A_134] : memref<4x128xi32, #tpu.memory_space<vmem>> -> memref<1x128xi32, #tpu.memory_space<vmem>>
    %dma_start3A_136 = tpu.memref_squeeze %dma_start3A_135 : memref<1x128xi32, #tpu.memory_space<vmem>> -> memref<128xi32, #tpu.memory_space<vmem>>
    %dma_start3A_137 = arith.constant 0 : i32
    %dma_start3A_138 = arith.constant 0 : i32
    %dma_start3A_139 = tpu.memref_slice %arg11[%dma_start3A_137, %dma_start3A_138] : memref<1024x128xf32, #tpu.memory_space<vmem_shared>> -> memref<1024x128xf32, #tpu.memory_space<vmem_shared>>
    tpu.enqueue_indirect_dma source(%dma_start3A_133 : memref<128x128xf32, #tpu.memory_space<vmem>>) target(%dma_start3A_139 : memref<1024x128xf32, #tpu.memory_space<vmem_shared>>) offsets(%dma_start3A_136 : memref<128xi32, #tpu.memory_space<vmem>>) semaphore(%arg19 : memref<!tpu.dma_semaphore, #tpu.memory_space<semaphore_mem>>) {add = true}
    %dma_start3A_140 = arith.constant 0 : i32
    %dma_start3A_141 = arith.constant 0 : i32
    %dma_start3A_142 = tpu.memref_slice %arg7[%dma_start3A_140, %dma_start3A_141] : memref<4x128xi32, #tpu.memory_space<vmem>> -> memref<1x128xi32, #tpu.memory_space<vmem>>
    %dma_start3A_143 = tpu.memref_squeeze %dma_start3A_142 : memref<1x128xi32, #tpu.memory_space<vmem>> -> memref<128xi32, #tpu.memory_space<vmem>>
    %dma_start3A_144 = arith.constant 0 : i32
    %dma_start3A_145 = arith.constant 0 : i32
    %dma_start3A_146 = tpu.memref_slice %arg12[%dma_start3A_144, %dma_start3A_145] : memref<1024x16xf32, #tpu.memory_space<vmem_shared>> -> memref<1024x16xf32, #tpu.memory_space<vmem_shared>>
    tpu.enqueue_indirect_dma source(%arg8 : memref<128x16xf32, #tpu.memory_space<vmem>>) target(%dma_start3A_146 : memref<1024x16xf32, #tpu.memory_space<vmem_shared>>) offsets(%dma_start3A_143 : memref<128xi32, #tpu.memory_space<vmem>>) semaphore(%arg19 : memref<!tpu.dma_semaphore, #tpu.memory_space<semaphore_mem>>) {add = true}
    %dma_wait3A_147 = arith.constant 128 : i32
    %dma_wait3A_148 = arith.constant 0 : i32
    %dma_wait3A_149 = tpu.memref_slice %arg6[%dma_wait3A_147, %dma_wait3A_148] : memref<512x128xf32, #tpu.memory_space<vmem>> -> memref<128x128xf32, #tpu.memory_space<vmem>>
    %dma_wait3A_150 = arith.constant 128 : i32
    %dma_wait3A_151 = arith.constant 0 : i32
    %dma_wait3A_152 = tpu.memref_slice %arg2[%add3A, %dma_wait3A_150, %dma_wait3A_151] : memref<32x512x128xf32, #tpu.memory_space<hbm>> -> memref<1x128x128xf32, #tpu.memory_space<hbm>>
    %dma_wait3A_153 = tpu.memref_squeeze %dma_wait3A_152 : memref<1x128x128xf32, #tpu.memory_space<hbm>> -> memref<128x128xf32, #tpu.memory_space<hbm>>
    %dma_wait3A_154 = arith.constant 128 : i32
    %dma_wait3A_155 = arith.constant 0 : i32
    %dma_wait3A_156 = tpu.memref_slice %arg6[%dma_wait3A_154, %dma_wait3A_155] : memref<512x128xf32, #tpu.memory_space<vmem>> -> memref<128x128xf32, #tpu.memory_space<vmem>>
    %dma_wait3A_157 = arith.constant 128 : i32
    %dma_wait3A_158 = arith.constant 0 : i32
    %dma_wait3A_159 = tpu.memref_slice %arg2[%add3A, %dma_wait3A_157, %dma_wait3A_158] : memref<32x512x128xf32, #tpu.memory_space<hbm>> -> memref<1x128x128xf32, #tpu.memory_space<hbm>>
    %dma_wait3A_160 = tpu.memref_squeeze %dma_wait3A_159 : memref<1x128x128xf32, #tpu.memory_space<hbm>> -> memref<128x128xf32, #tpu.memory_space<hbm>>
    tpu.wait_dma2 semaphore(%arg14 : memref<!tpu.dma_semaphore, #tpu.memory_space<semaphore_mem>>) src(%dma_wait3A_160 : memref<128x128xf32, #tpu.memory_space<hbm>>) dst(%dma_wait3A_156 : memref<128x128xf32, #tpu.memory_space<vmem>>)
    %dma_start3A_161 = arith.constant 1 : i32
    %dma_start3A_162 = arith.constant 128 : i32
    %dma_start3A_163 = arith.constant 0 : i32
    %dma_start3A_164 = tpu.memref_slice %arg6[%dma_start3A_162, %dma_start3A_163] : memref<512x128xf32, #tpu.memory_space<vmem>> -> memref<128x128xf32, #tpu.memory_space<vmem>>
    %dma_start3A_165 = arith.constant 0 : i32
    %dma_start3A_166 = tpu.memref_slice %arg7[%dma_start3A_161, %dma_start3A_165] : memref<4x128xi32, #tpu.memory_space<vmem>> -> memref<1x128xi32, #tpu.memory_space<vmem>>
    %dma_start3A_167 = tpu.memref_squeeze %dma_start3A_166 : memref<1x128xi32, #tpu.memory_space<vmem>> -> memref<128xi32, #tpu.memory_space<vmem>>
    %dma_start3A_168 = arith.constant 0 : i32
    %dma_start3A_169 = arith.constant 0 : i32
    %dma_start3A_170 = tpu.memref_slice %arg11[%dma_start3A_168, %dma_start3A_169] : memref<1024x128xf32, #tpu.memory_space<vmem_shared>> -> memref<1024x128xf32, #tpu.memory_space<vmem_shared>>
    tpu.enqueue_indirect_dma source(%dma_start3A_164 : memref<128x128xf32, #tpu.memory_space<vmem>>) target(%dma_start3A_170 : memref<1024x128xf32, #tpu.memory_space<vmem_shared>>) offsets(%dma_start3A_167 : memref<128xi32, #tpu.memory_space<vmem>>) semaphore(%arg19 : memref<!tpu.dma_semaphore, #tpu.memory_space<semaphore_mem>>) {add = true}
    %dma_start3A_171 = arith.constant 1 : i32
    %dma_start3A_172 = arith.constant 0 : i32
    %dma_start3A_173 = tpu.memref_slice %arg7[%dma_start3A_171, %dma_start3A_172] : memref<4x128xi32, #tpu.memory_space<vmem>> -> memref<1x128xi32, #tpu.memory_space<vmem>>
    %dma_start3A_174 = tpu.memref_squeeze %dma_start3A_173 : memref<1x128xi32, #tpu.memory_space<vmem>> -> memref<128xi32, #tpu.memory_space<vmem>>
    %dma_start3A_175 = arith.constant 0 : i32
    %dma_start3A_176 = arith.constant 0 : i32
    %dma_start3A_177 = tpu.memref_slice %arg12[%dma_start3A_175, %dma_start3A_176] : memref<1024x16xf32, #tpu.memory_space<vmem_shared>> -> memref<1024x16xf32, #tpu.memory_space<vmem_shared>>
    tpu.enqueue_indirect_dma source(%arg8 : memref<128x16xf32, #tpu.memory_space<vmem>>) target(%dma_start3A_177 : memref<1024x16xf32, #tpu.memory_space<vmem_shared>>) offsets(%dma_start3A_174 : memref<128xi32, #tpu.memory_space<vmem>>) semaphore(%arg19 : memref<!tpu.dma_semaphore, #tpu.memory_space<semaphore_mem>>) {add = true}
    %dma_wait3A_178 = arith.constant 256 : i32
    %dma_wait3A_179 = arith.constant 0 : i32
    %dma_wait3A_180 = tpu.memref_slice %arg6[%dma_wait3A_178, %dma_wait3A_179] : memref<512x128xf32, #tpu.memory_space<vmem>> -> memref<128x128xf32, #tpu.memory_space<vmem>>
    %dma_wait3A_181 = arith.constant 256 : i32
    %dma_wait3A_182 = arith.constant 0 : i32
    %dma_wait3A_183 = tpu.memref_slice %arg2[%add3A, %dma_wait3A_181, %dma_wait3A_182] : memref<32x512x128xf32, #tpu.memory_space<hbm>> -> memref<1x128x128xf32, #tpu.memory_space<hbm>>
    %dma_wait3A_184 = tpu.memref_squeeze %dma_wait3A_183 : memref<1x128x128xf32, #tpu.memory_space<hbm>> -> memref<128x128xf32, #tpu.memory_space<hbm>>
    %dma_wait3A_185 = arith.constant 256 : i32
    %dma_wait3A_186 = arith.constant 0 : i32
    %dma_wait3A_187 = tpu.memref_slice %arg6[%dma_wait3A_185, %dma_wait3A_186] : memref<512x128xf32, #tpu.memory_space<vmem>> -> memref<128x128xf32, #tpu.memory_space<vmem>>
    %dma_wait3A_188 = arith.constant 256 : i32
    %dma_wait3A_189 = arith.constant 0 : i32
    %dma_wait3A_190 = tpu.memref_slice %arg2[%add3A, %dma_wait3A_188, %dma_wait3A_189] : memref<32x512x128xf32, #tpu.memory_space<hbm>> -> memref<1x128x128xf32, #tpu.memory_space<hbm>>
    %dma_wait3A_191 = tpu.memref_squeeze %dma_wait3A_190 : memref<1x128x128xf32, #tpu.memory_space<hbm>> -> memref<128x128xf32, #tpu.memory_space<hbm>>
    tpu.wait_dma2 semaphore(%arg15 : memref<!tpu.dma_semaphore, #tpu.memory_space<semaphore_mem>>) src(%dma_wait3A_191 : memref<128x128xf32, #tpu.memory_space<hbm>>) dst(%dma_wait3A_187 : memref<128x128xf32, #tpu.memory_space<vmem>>)
    %dma_start3A_192 = arith.constant 2 : i32
    %dma_start3A_193 = arith.constant 256 : i32
    %dma_start3A_194 = arith.constant 0 : i32
    %dma_start3A_195 = tpu.memref_slice %arg6[%dma_start3A_193, %dma_start3A_194] : memref<512x128xf32, #tpu.memory_space<vmem>> -> memref<128x128xf32, #tpu.memory_space<vmem>>
    %dma_start3A_196 = arith.constant 0 : i32
    %dma_start3A_197 = tpu.memref_slice %arg7[%dma_start3A_192, %dma_start3A_196] : memref<4x128xi32, #tpu.memory_space<vmem>> -> memref<1x128xi32, #tpu.memory_space<vmem>>
    %dma_start3A_198 = tpu.memref_squeeze %dma_start3A_197 : memref<1x128xi32, #tpu.memory_space<vmem>> -> memref<128xi32, #tpu.memory_space<vmem>>
    %dma_start3A_199 = arith.constant 0 : i32
    %dma_start3A_200 = arith.constant 0 : i32
    %dma_start3A_201 = tpu.memref_slice %arg11[%dma_start3A_199, %dma_start3A_200] : memref<1024x128xf32, #tpu.memory_space<vmem_shared>> -> memref<1024x128xf32, #tpu.memory_space<vmem_shared>>
    tpu.enqueue_indirect_dma source(%dma_start3A_195 : memref<128x128xf32, #tpu.memory_space<vmem>>) target(%dma_start3A_201 : memref<1024x128xf32, #tpu.memory_space<vmem_shared>>) offsets(%dma_start3A_198 : memref<128xi32, #tpu.memory_space<vmem>>) semaphore(%arg19 : memref<!tpu.dma_semaphore, #tpu.memory_space<semaphore_mem>>) {add = true}
    %dma_start3A_202 = arith.constant 2 : i32
    %dma_start3A_203 = arith.constant 0 : i32
    %dma_start3A_204 = tpu.memref_slice %arg7[%dma_start3A_202, %dma_start3A_203] : memref<4x128xi32, #tpu.memory_space<vmem>> -> memref<1x128xi32, #tpu.memory_space<vmem>>
    %dma_start3A_205 = tpu.memref_squeeze %dma_start3A_204 : memref<1x128xi32, #tpu.memory_space<vmem>> -> memref<128xi32, #tpu.memory_space<vmem>>
    %dma_start3A_206 = arith.constant 0 : i32
    %dma_start3A_207 = arith.constant 0 : i32
    %dma_start3A_208 = tpu.memref_slice %arg12[%dma_start3A_206, %dma_start3A_207] : memref<1024x16xf32, #tpu.memory_space<vmem_shared>> -> memref<1024x16xf32, #tpu.memory_space<vmem_shared>>
    tpu.enqueue_indirect_dma source(%arg8 : memref<128x16xf32, #tpu.memory_space<vmem>>) target(%dma_start3A_208 : memref<1024x16xf32, #tpu.memory_space<vmem_shared>>) offsets(%dma_start3A_205 : memref<128xi32, #tpu.memory_space<vmem>>) semaphore(%arg19 : memref<!tpu.dma_semaphore, #tpu.memory_space<semaphore_mem>>) {add = true}
    %dma_wait3A_209 = arith.constant 384 : i32
    %dma_wait3A_210 = arith.constant 0 : i32
    %dma_wait3A_211 = tpu.memref_slice %arg6[%dma_wait3A_209, %dma_wait3A_210] : memref<512x128xf32, #tpu.memory_space<vmem>> -> memref<128x128xf32, #tpu.memory_space<vmem>>
    %dma_wait3A_212 = arith.constant 384 : i32
    %dma_wait3A_213 = arith.constant 0 : i32
    %dma_wait3A_214 = tpu.memref_slice %arg2[%add3A, %dma_wait3A_212, %dma_wait3A_213] : memref<32x512x128xf32, #tpu.memory_space<hbm>> -> memref<1x128x128xf32, #tpu.memory_space<hbm>>
    %dma_wait3A_215 = tpu.memref_squeeze %dma_wait3A_214 : memref<1x128x128xf32, #tpu.memory_space<hbm>> -> memref<128x128xf32, #tpu.memory_space<hbm>>
    %dma_wait3A_216 = arith.constant 384 : i32
    %dma_wait3A_217 = arith.constant 0 : i32
    %dma_wait3A_218 = tpu.memref_slice %arg6[%dma_wait3A_216, %dma_wait3A_217] : memref<512x128xf32, #tpu.memory_space<vmem>> -> memref<128x128xf32, #tpu.memory_space<vmem>>
    %dma_wait3A_219 = arith.constant 384 : i32
    %dma_wait3A_220 = arith.constant 0 : i32
    %dma_wait3A_221 = tpu.memref_slice %arg2[%add3A, %dma_wait3A_219, %dma_wait3A_220] : memref<32x512x128xf32, #tpu.memory_space<hbm>> -> memref<1x128x128xf32, #tpu.memory_space<hbm>>
    %dma_wait3A_222 = tpu.memref_squeeze %dma_wait3A_221 : memref<1x128x128xf32, #tpu.memory_space<hbm>> -> memref<128x128xf32, #tpu.memory_space<hbm>>
    tpu.wait_dma2 semaphore(%arg16 : memref<!tpu.dma_semaphore, #tpu.memory_space<semaphore_mem>>) src(%dma_wait3A_222 : memref<128x128xf32, #tpu.memory_space<hbm>>) dst(%dma_wait3A_218 : memref<128x128xf32, #tpu.memory_space<vmem>>)
    %dma_start3A_223 = arith.constant 3 : i32
    %dma_start3A_224 = arith.constant 384 : i32
    %dma_start3A_225 = arith.constant 0 : i32
    %dma_start3A_226 = tpu.memref_slice %arg6[%dma_start3A_224, %dma_start3A_225] : memref<512x128xf32, #tpu.memory_space<vmem>> -> memref<128x128xf32, #tpu.memory_space<vmem>>
    %dma_start3A_227 = arith.constant 0 : i32
    %dma_start3A_228 = tpu.memref_slice %arg7[%dma_start3A_223, %dma_start3A_227] : memref<4x128xi32, #tpu.memory_space<vmem>> -> memref<1x128xi32, #tpu.memory_space<vmem>>
    %dma_start3A_229 = tpu.memref_squeeze %dma_start3A_228 : memref<1x128xi32, #tpu.memory_space<vmem>> -> memref<128xi32, #tpu.memory_space<vmem>>
    %dma_start3A_230 = arith.constant 0 : i32
    %dma_start3A_231 = arith.constant 0 : i32
    %dma_start3A_232 = tpu.memref_slice %arg11[%dma_start3A_230, %dma_start3A_231] : memref<1024x128xf32, #tpu.memory_space<vmem_shared>> -> memref<1024x128xf32, #tpu.memory_space<vmem_shared>>
    tpu.enqueue_indirect_dma source(%dma_start3A_226 : memref<128x128xf32, #tpu.memory_space<vmem>>) target(%dma_start3A_232 : memref<1024x128xf32, #tpu.memory_space<vmem_shared>>) offsets(%dma_start3A_229 : memref<128xi32, #tpu.memory_space<vmem>>) semaphore(%arg19 : memref<!tpu.dma_semaphore, #tpu.memory_space<semaphore_mem>>) {add = true}
    %dma_start3A_233 = arith.constant 3 : i32
    %dma_start3A_234 = arith.constant 0 : i32
    %dma_start3A_235 = tpu.memref_slice %arg7[%dma_start3A_233, %dma_start3A_234] : memref<4x128xi32, #tpu.memory_space<vmem>> -> memref<1x128xi32, #tpu.memory_space<vmem>>
    %dma_start3A_236 = tpu.memref_squeeze %dma_start3A_235 : memref<1x128xi32, #tpu.memory_space<vmem>> -> memref<128xi32, #tpu.memory_space<vmem>>
    %dma_start3A_237 = arith.constant 0 : i32
    %dma_start3A_238 = arith.constant 0 : i32
    %dma_start3A_239 = tpu.memref_slice %arg12[%dma_start3A_237, %dma_start3A_238] : memref<1024x16xf32, #tpu.memory_space<vmem_shared>> -> memref<1024x16xf32, #tpu.memory_space<vmem_shared>>
    tpu.enqueue_indirect_dma source(%arg8 : memref<128x16xf32, #tpu.memory_space<vmem>>) target(%dma_start3A_239 : memref<1024x16xf32, #tpu.memory_space<vmem_shared>>) offsets(%dma_start3A_236 : memref<128xi32, #tpu.memory_space<vmem>>) semaphore(%arg19 : memref<!tpu.dma_semaphore, #tpu.memory_space<semaphore_mem>>) {add = true}
    %dma_wait3A_240 = arith.constant 0 : i32
    %dma_wait3A_241 = arith.constant 0 : i32
    %dma_wait3A_242 = arith.constant 0 : i32
    %dma_wait3A_243 = tpu.memref_slice %arg6[%dma_wait3A_241, %dma_wait3A_242] : memref<512x128xf32, #tpu.memory_space<vmem>> -> memref<128x128xf32, #tpu.memory_space<vmem>>
    %dma_wait3A_244 = arith.constant 0 : i32
    %dma_wait3A_245 = tpu.memref_slice %arg7[%dma_wait3A_240, %dma_wait3A_244] : memref<4x128xi32, #tpu.memory_space<vmem>> -> memref<1x128xi32, #tpu.memory_space<vmem>>
    %dma_wait3A_246 = tpu.memref_squeeze %dma_wait3A_245 : memref<1x128xi32, #tpu.memory_space<vmem>> -> memref<128xi32, #tpu.memory_space<vmem>>
    %dma_wait3A_247 = arith.constant 0 : i32
    %dma_wait3A_248 = arith.constant 0 : i32
    %dma_wait3A_249 = tpu.memref_slice %arg11[%dma_wait3A_247, %dma_wait3A_248] : memref<1024x128xf32, #tpu.memory_space<vmem_shared>> -> memref<1024x128xf32, #tpu.memory_space<vmem_shared>>
    tpu.wait_indirect_dma semaphore(%arg19 : memref<!tpu.dma_semaphore, #tpu.memory_space<semaphore_mem>>) src(%dma_wait3A_243 : memref<128x128xf32, #tpu.memory_space<vmem>>) dst(%dma_wait3A_249 : memref<1024x128xf32, #tpu.memory_space<vmem_shared>>)
    %dma_wait3A_250 = arith.constant 0 : i32
    %dma_wait3A_251 = arith.constant 0 : i32
    %dma_wait3A_252 = tpu.memref_slice %arg7[%dma_wait3A_250, %dma_wait3A_251] : memref<4x128xi32, #tpu.memory_space<vmem>> -> memref<1x128xi32, #tpu.memory_space<vmem>>
    %dma_wait3A_253 = tpu.memref_squeeze %dma_wait3A_252 : memref<1x128xi32, #tpu.memory_space<vmem>> -> memref<128xi32, #tpu.memory_space<vmem>>
    %dma_wait3A_254 = arith.constant 0 : i32
    %dma_wait3A_255 = arith.constant 0 : i32
    %dma_wait3A_256 = tpu.memref_slice %arg12[%dma_wait3A_254, %dma_wait3A_255] : memref<1024x16xf32, #tpu.memory_space<vmem_shared>> -> memref<1024x16xf32, #tpu.memory_space<vmem_shared>>
    tpu.wait_indirect_dma semaphore(%arg19 : memref<!tpu.dma_semaphore, #tpu.memory_space<semaphore_mem>>) src(%arg8 : memref<128x16xf32, #tpu.memory_space<vmem>>) dst(%dma_wait3A_256 : memref<1024x16xf32, #tpu.memory_space<vmem_shared>>)
    %dma_wait3A_257 = arith.constant 1 : i32
    %dma_wait3A_258 = arith.constant 128 : i32
    %dma_wait3A_259 = arith.constant 0 : i32
    %dma_wait3A_260 = tpu.memref_slice %arg6[%dma_wait3A_258, %dma_wait3A_259] : memref<512x128xf32, #tpu.memory_space<vmem>> -> memref<128x128xf32, #tpu.memory_space<vmem>>
    %dma_wait3A_261 = arith.constant 0 : i32
    %dma_wait3A_262 = tpu.memref_slice %arg7[%dma_wait3A_257, %dma_wait3A_261] : memref<4x128xi32, #tpu.memory_space<vmem>> -> memref<1x128xi32, #tpu.memory_space<vmem>>
    %dma_wait3A_263 = tpu.memref_squeeze %dma_wait3A_262 : memref<1x128xi32, #tpu.memory_space<vmem>> -> memref<128xi32, #tpu.memory_space<vmem>>
    %dma_wait3A_264 = arith.constant 0 : i32
    %dma_wait3A_265 = arith.constant 0 : i32
    %dma_wait3A_266 = tpu.memref_slice %arg11[%dma_wait3A_264, %dma_wait3A_265] : memref<1024x128xf32, #tpu.memory_space<vmem_shared>> -> memref<1024x128xf32, #tpu.memory_space<vmem_shared>>
    tpu.wait_indirect_dma semaphore(%arg19 : memref<!tpu.dma_semaphore, #tpu.memory_space<semaphore_mem>>) src(%dma_wait3A_260 : memref<128x128xf32, #tpu.memory_space<vmem>>) dst(%dma_wait3A_266 : memref<1024x128xf32, #tpu.memory_space<vmem_shared>>)
    %dma_wait3A_267 = arith.constant 1 : i32
    %dma_wait3A_268 = arith.constant 0 : i32
    %dma_wait3A_269 = tpu.memref_slice %arg7[%dma_wait3A_267, %dma_wait3A_268] : memref<4x128xi32, #tpu.memory_space<vmem>> -> memref<1x128xi32, #tpu.memory_space<vmem>>
    %dma_wait3A_270 = tpu.memref_squeeze %dma_wait3A_269 : memref<1x128xi32, #tpu.memory_space<vmem>> -> memref<128xi32, #tpu.memory_space<vmem>>
    %dma_wait3A_271 = arith.constant 0 : i32
    %dma_wait3A_272 = arith.constant 0 : i32
    %dma_wait3A_273 = tpu.memref_slice %arg12[%dma_wait3A_271, %dma_wait3A_272] : memref<1024x16xf32, #tpu.memory_space<vmem_shared>> -> memref<1024x16xf32, #tpu.memory_space<vmem_shared>>
    tpu.wait_indirect_dma semaphore(%arg19 : memref<!tpu.dma_semaphore, #tpu.memory_space<semaphore_mem>>) src(%arg8 : memref<128x16xf32, #tpu.memory_space<vmem>>) dst(%dma_wait3A_273 : memref<1024x16xf32, #tpu.memory_space<vmem_shared>>)
    %dma_wait3A_274 = arith.constant 2 : i32
    %dma_wait3A_275 = arith.constant 256 : i32
    %dma_wait3A_276 = arith.constant 0 : i32
    %dma_wait3A_277 = tpu.memref_slice %arg6[%dma_wait3A_275, %dma_wait3A_276] : memref<512x128xf32, #tpu.memory_space<vmem>> -> memref<128x128xf32, #tpu.memory_space<vmem>>
    %dma_wait3A_278 = arith.constant 0 : i32
    %dma_wait3A_279 = tpu.memref_slice %arg7[%dma_wait3A_274, %dma_wait3A_278] : memref<4x128xi32, #tpu.memory_space<vmem>> -> memref<1x128xi32, #tpu.memory_space<vmem>>
    %dma_wait3A_280 = tpu.memref_squeeze %dma_wait3A_279 : memref<1x128xi32, #tpu.memory_space<vmem>> -> memref<128xi32, #tpu.memory_space<vmem>>
    %dma_wait3A_281 = arith.constant 0 : i32
    %dma_wait3A_282 = arith.constant 0 : i32
    %dma_wait3A_283 = tpu.memref_slice %arg11[%dma_wait3A_281, %dma_wait3A_282] : memref<1024x128xf32, #tpu.memory_space<vmem_shared>> -> memref<1024x128xf32, #tpu.memory_space<vmem_shared>>
    tpu.wait_indirect_dma semaphore(%arg19 : memref<!tpu.dma_semaphore, #tpu.memory_space<semaphore_mem>>) src(%dma_wait3A_277 : memref<128x128xf32, #tpu.memory_space<vmem>>) dst(%dma_wait3A_283 : memref<1024x128xf32, #tpu.memory_space<vmem_shared>>)
    %dma_wait3A_284 = arith.constant 2 : i32
    %dma_wait3A_285 = arith.constant 0 : i32
    %dma_wait3A_286 = tpu.memref_slice %arg7[%dma_wait3A_284, %dma_wait3A_285] : memref<4x128xi32, #tpu.memory_space<vmem>> -> memref<1x128xi32, #tpu.memory_space<vmem>>
    %dma_wait3A_287 = tpu.memref_squeeze %dma_wait3A_286 : memref<1x128xi32, #tpu.memory_space<vmem>> -> memref<128xi32, #tpu.memory_space<vmem>>
    %dma_wait3A_288 = arith.constant 0 : i32
    %dma_wait3A_289 = arith.constant 0 : i32
    %dma_wait3A_290 = tpu.memref_slice %arg12[%dma_wait3A_288, %dma_wait3A_289] : memref<1024x16xf32, #tpu.memory_space<vmem_shared>> -> memref<1024x16xf32, #tpu.memory_space<vmem_shared>>
    tpu.wait_indirect_dma semaphore(%arg19 : memref<!tpu.dma_semaphore, #tpu.memory_space<semaphore_mem>>) src(%arg8 : memref<128x16xf32, #tpu.memory_space<vmem>>) dst(%dma_wait3A_290 : memref<1024x16xf32, #tpu.memory_space<vmem_shared>>)
    %dma_wait3A_291 = arith.constant 3 : i32
    %dma_wait3A_292 = arith.constant 384 : i32
    %dma_wait3A_293 = arith.constant 0 : i32
    %dma_wait3A_294 = tpu.memref_slice %arg6[%dma_wait3A_292, %dma_wait3A_293] : memref<512x128xf32, #tpu.memory_space<vmem>> -> memref<128x128xf32, #tpu.memory_space<vmem>>
    %dma_wait3A_295 = arith.constant 0 : i32
    %dma_wait3A_296 = tpu.memref_slice %arg7[%dma_wait3A_291, %dma_wait3A_295] : memref<4x128xi32, #tpu.memory_space<vmem>> -> memref<1x128xi32, #tpu.memory_space<vmem>>
    %dma_wait3A_297 = tpu.memref_squeeze %dma_wait3A_296 : memref<1x128xi32, #tpu.memory_space<vmem>> -> memref<128xi32, #tpu.memory_space<vmem>>
    %dma_wait3A_298 = arith.constant 0 : i32
    %dma_wait3A_299 = arith.constant 0 : i32
    %dma_wait3A_300 = tpu.memref_slice %arg11[%dma_wait3A_298, %dma_wait3A_299] : memref<1024x128xf32, #tpu.memory_space<vmem_shared>> -> memref<1024x128xf32, #tpu.memory_space<vmem_shared>>
    tpu.wait_indirect_dma semaphore(%arg19 : memref<!tpu.dma_semaphore, #tpu.memory_space<semaphore_mem>>) src(%dma_wait3A_294 : memref<128x128xf32, #tpu.memory_space<vmem>>) dst(%dma_wait3A_300 : memref<1024x128xf32, #tpu.memory_space<vmem_shared>>)
    %dma_wait3A_301 = arith.constant 3 : i32
    %dma_wait3A_302 = arith.constant 0 : i32
    %dma_wait3A_303 = tpu.memref_slice %arg7[%dma_wait3A_301, %dma_wait3A_302] : memref<4x128xi32, #tpu.memory_space<vmem>> -> memref<1x128xi32, #tpu.memory_space<vmem>>
    %dma_wait3A_304 = tpu.memref_squeeze %dma_wait3A_303 : memref<1x128xi32, #tpu.memory_space<vmem>> -> memref<128xi32, #tpu.memory_space<vmem>>
    %dma_wait3A_305 = arith.constant 0 : i32
    %dma_wait3A_306 = arith.constant 0 : i32
    %dma_wait3A_307 = tpu.memref_slice %arg12[%dma_wait3A_305, %dma_wait3A_306] : memref<1024x16xf32, #tpu.memory_space<vmem_shared>> -> memref<1024x16xf32, #tpu.memory_space<vmem_shared>>
    tpu.wait_indirect_dma semaphore(%arg19 : memref<!tpu.dma_semaphore, #tpu.memory_space<semaphore_mem>>) src(%arg8 : memref<128x16xf32, #tpu.memory_space<vmem>>) dst(%dma_wait3A_307 : memref<1024x16xf32, #tpu.memory_space<vmem_shared>>)
    %barrier3A_308 = arith.constant 0 : index
    tpu.barrier barrier_id(%barrier3A_308)
    %mul3A_309 = arith.constant 64 : i32
    %mul3A_310 = arith.muli %arg1, %mul3A_309 : i32
    %mul3A_311 = arith.constant 64 : i32
    %mul3A_312 = arith.muli %arg1, %mul3A_311 : i32
    %dma_start3A_313 = arith.constant 0 : i32
    %dma_start3A_314 = tpu.memref_slice %arg4[%arg0, %mul3A_312, %dma_start3A_313] : memref<2x1024x128xf32, #tpu.memory_space<hbm>> -> memref<1x64x128xf32, #tpu.memory_space<hbm>>
    %dma_start3A_315 = tpu.memref_squeeze %dma_start3A_314 : memref<1x64x128xf32, #tpu.memory_space<hbm>> -> memref<64x128xf32, #tpu.memory_space<hbm>>
    %dma_start3A_316 = arith.constant 0 : i32
    %dma_start3A_317 = tpu.memref_slice %arg11[%mul3A_310, %dma_start3A_316] : memref<1024x128xf32, #tpu.memory_space<vmem_shared>> -> memref<64x128xf32, #tpu.memory_space<vmem_shared>>
    tpu.enqueue_dma source(%dma_start3A_317 : memref<64x128xf32, #tpu.memory_space<vmem_shared>>) target(%dma_start3A_315 : memref<64x128xf32, #tpu.memory_space<hbm>>) target_semaphore(%arg17 : memref<!tpu.dma_semaphore, #tpu.memory_space<semaphore_mem>>)
    %mul3A_318 = arith.constant 64 : i32
    %mul3A_319 = arith.muli %arg1, %mul3A_318 : i32
    %mul3A_320 = arith.constant 64 : i32
    %mul3A_321 = arith.muli %arg1, %mul3A_320 : i32
    %dma_start3A_322 = arith.constant 0 : i32
    %dma_start3A_323 = tpu.memref_slice %arg5[%arg0, %mul3A_321, %dma_start3A_322] : memref<2x1024x16xf32, #tpu.memory_space<hbm>> -> memref<1x64x16xf32, #tpu.memory_space<hbm>>
    %dma_start3A_324 = tpu.memref_squeeze %dma_start3A_323 : memref<1x64x16xf32, #tpu.memory_space<hbm>> -> memref<64x16xf32, #tpu.memory_space<hbm>>
    %dma_start3A_325 = arith.constant 0 : i32
    %dma_start3A_326 = tpu.memref_slice %arg12[%mul3A_319, %dma_start3A_325] : memref<1024x16xf32, #tpu.memory_space<vmem_shared>> -> memref<64x16xf32, #tpu.memory_space<vmem_shared>>
    tpu.enqueue_dma source(%dma_start3A_326 : memref<64x16xf32, #tpu.memory_space<vmem_shared>>) target(%dma_start3A_324 : memref<64x16xf32, #tpu.memory_space<hbm>>) target_semaphore(%arg17 : memref<!tpu.dma_semaphore, #tpu.memory_space<semaphore_mem>>)
    %dma_wait3A_327 = arith.constant 0 : i32
    %dma_wait3A_328 = tpu.memref_slice %arg4[%arg0, %mul3A_312, %dma_wait3A_327] : memref<2x1024x128xf32, #tpu.memory_space<hbm>> -> memref<1x64x128xf32, #tpu.memory_space<hbm>>
    %dma_wait3A_329 = tpu.memref_squeeze %dma_wait3A_328 : memref<1x64x128xf32, #tpu.memory_space<hbm>> -> memref<64x128xf32, #tpu.memory_space<hbm>>
    %dma_wait3A_330 = arith.constant 0 : i32
    %dma_wait3A_331 = tpu.memref_slice %arg11[%mul3A_310, %dma_wait3A_330] : memref<1024x128xf32, #tpu.memory_space<vmem_shared>> -> memref<64x128xf32, #tpu.memory_space<vmem_shared>>
    tpu.wait_dma2 semaphore(%arg17 : memref<!tpu.dma_semaphore, #tpu.memory_space<semaphore_mem>>) src(%dma_wait3A_331 : memref<64x128xf32, #tpu.memory_space<vmem_shared>>) dst(%dma_wait3A_329 : memref<64x128xf32, #tpu.memory_space<hbm>>)
    %dma_wait3A_332 = arith.constant 0 : i32
    %dma_wait3A_333 = tpu.memref_slice %arg5[%arg0, %mul3A_321, %dma_wait3A_332] : memref<2x1024x16xf32, #tpu.memory_space<hbm>> -> memref<1x64x16xf32, #tpu.memory_space<hbm>>
    %dma_wait3A_334 = tpu.memref_squeeze %dma_wait3A_333 : memref<1x64x16xf32, #tpu.memory_space<hbm>> -> memref<64x16xf32, #tpu.memory_space<hbm>>
    %dma_wait3A_335 = arith.constant 0 : i32
    %dma_wait3A_336 = tpu.memref_slice %arg12[%mul3A_319, %dma_wait3A_335] : memref<1024x16xf32, #tpu.memory_space<vmem_shared>> -> memref<64x16xf32, #tpu.memory_space<vmem_shared>>
    tpu.wait_dma2 semaphore(%arg17 : memref<!tpu.dma_semaphore, #tpu.memory_space<semaphore_mem>>) src(%dma_wait3A_336 : memref<64x16xf32, #tpu.memory_space<vmem_shared>>) dst(%dma_wait3A_334 : memref<64x16xf32, #tpu.memory_space<hbm>>)
    return
  }
}

</mosaic_0001>

<sc_bundles>
// kernel: _sc_segsum.3.cloned.1.call-start
scs
__scs_entry_jumppad:
0x0: {  	(pc) =	sbr.rel $0x88, $3  }
0x1: {  	(tag) =	ssettag $0x0;
	lr =	simm.s32 $0x1  }
0x2: {  	[smem:$0x3F9F] =	sst lr;
	_ =	strace $0xD0000000  }
0x3: {  	_ = 	snop  }
0x4: {  	_ = 	snop  }
0x5: {  	_ = 	snop  }
0x6: {  	_ = 	snop  }
0x7: {  	_ = 	snop  }
__scs_overlays_trampoline_lowered:
0x8: {  	[smem:$0x3FAE] =	sst s0  }
0x9: {  	[smem:$0x3FAF] =	sst s1  }
0xa: {  	[smem:$0x3FB0] =	sst s2  }
0xb: {  	[smem:$0x3FB1] =	sst s3  }
0xc: {  	[smem:$0x3FB2] =	sst s4  }
0xd: {  	[smem:$0x3FB3] =	sst s5  }
0xe: {  	[smem:$0x3FB4] =	sst s6  }
0xf: {  	[smem:$0x3FB5] =	sst s7  }
0x10: {  	[smem:$0x3FB6] =	sst s8  }
0x11: {  	[smem:$0x3FB7] =	sst s9;
	s0 =	simm.s32 @!p0 $0x0  }
0x12: {  	s1 =	sld [smem:$0x3F9D];
	s0 =	simm.s32 @p0 $0x1  }
0x13: {  	[smem:$0x3FB8] =	sst s0;
	s0 =	simm.s32 @!p1 $0x0  }
0x14: {  	s2 =	sld [smem:$0x3F9C];
	s0 =	simm.s32 @p1 $0x1  }
0x15: {  	[smem:$0x3FB9] =	sst s0;
	s0 =	simm.s32 @!p2 $0x0  }
0x16: {  	s3 =	sld [smem:$0x3FDB];
	s0 =	simm.s32 @p2 $0x1  }
0x17: {  	s4 =	simm.s32 $0x1BF5;
	[smem:$0x3FBB] =	sst s0  }
0x18: {  	s0 =	sld [smem:$0x3F9E];
	_ =	swait.ge [sflag:s4], $0x0  }
0x19: {  	s7 =	sld [smem:$0x3F9F]  }
0x1a: {  	s8 =	sadd.s32 $0xFFFFE003, lr  }
0x1b: {  	s9 =	sadd.s32 $0xFFFFFEF7, lr;
	s5 =	simm.s32 $0xFFFFFFFF;
	p2 =	slt.u32 s8, $0xFFFFF086  }
0x1c: {  	p1 =	slt.u32 s9, $0xF7A;
	s5 =	simm.s32 @!p2 $0x0  }
0x1d: {  	s5 =	simm.s32 @p1 $0x1;
	p0 =	seq.s32 s7, s2  }
0x1e: {  	s7 =	smul.u32 @!p0 $0xF7A, s2;
	p2 =	seq.s32 @!p0 s5, $0x0  }
0x1f: {  	s9 =	smul.u32 $0xF7A, s1;
	s8 =	simm.s32 @!p0 $0x1BF5;
	p2 =	por !p2, p0  }
0x20: {  	[sflag:s8] =	ssyncset.s32 @!p0 $0xFFFFF086;
	s6 =	sadd.s32 @!p0 s3, s7;
	s7 =	simm.s32 @!p0 $0x108  }
0x21: {  	s3 =	sadd.s32 s3, s9;
	s6 =	sadd.s32 @!p0 $0x88, s6;
	s7 =	simm.s32 @p2 $0x1082  }
0x22: {  	[simem:s7], [sflag:s8] =	dma.local @!p0 [hbm:s6], $0xF7A  }
0x23: {  	s9 =	sor.u32 $0xD0000000, s2;
	s6 =	simm.s32 $0x108;
	_ =	swait.ge @!p0 [sflag:s8], $0x0  }
0x24: {  	s3 =	sadd.s32 $0x88, s3;
	s6 =	simm.s32 @!p1 $0x1082;
	[sflag:s4] =	ssyncset.s32 $0xFFFFF086  }
0x25: {  	[simem:s6], [sflag:s4] =	dma.local [hbm:s3], $0xF7A  }
0x26: {  	[smem:$0x3F9F] =	sst s1;
	(tag) =	ssettag s2;
	_ =	strace s9  }
0x27: {  	s1 =	sld [smem:$0x3FAF]  }
0x28: {  	s2 =	sld [smem:$0x3FB0]  }
0x29: {  	s4 =	sld [smem:$0x3FB2]  }
0x2a: {  	p0 =	seq.s32 s5, $0x0;
	s5 =	sld [smem:$0x3FB3]  }
0x2b: {  	s6 =	sld [smem:$0x3FB4]  }
0x2c: {  	s7 =	sld [smem:$0x3FB5]  }
0x2d: {  	s3 =	simm.s32 $0x108;
	s8 =	sld [smem:$0x3FB6]  }
0x2e: {  	s3 =	simm.s32 @!p0 $0x1082;
	s9 =	sld [smem:$0x3FB7]  }
0x2f: {  	lr =	sadd.s32 s0, s3;
	s0 =	sld [smem:$0x3FAE]  }
0x30: {  	s3 =	sld [smem:$0x3FB1]  }
0x31: {  	[smem:$0x3FBA] =	sst s10  }
0x32: {  	s10 =	sld [smem:$0x3FB8];
	_ =	sdelay $0x3  }
0x33: {  	p0 =	seq.s32 s10, $0x1;
	s10 =	sld [smem:$0x3FBA];
	_ =	sdelay $0x3  }
0x34: {  	[smem:$0x3FBA] =	sst s10  }
0x35: {  	s10 =	sld [smem:$0x3FB9];
	_ =	sdelay $0x3  }
0x36: {  	p1 =	seq.s32 s10, $0x1;
	s10 =	sld [smem:$0x3FBA];
	_ =	sdelay $0x3  }
0x37: {  	[smem:$0x3FBA] =	sst s10  }
0x38: {  	s10 =	sld [smem:$0x3FBB]  }
0x39: {  	_ = 	snop;
	(pc) =	sbr.ind lr, $3  }
0x3a: {  	_ = 	snop  }
0x3b: {  	_ = 	snop  }
0x3c: {  	p2 =	seq.s32 s10, $0x1;
	s10 =	sld [smem:$0x3FBA]  }
0x3d: {  	_ =	shalt  }
0x3e: {  	_ =	shalt  }
0x3f: {  	_ =	shalt  }
0x40: {  	_ =	shalt  }
0x41: {  	_ =	shalt  }
0x42: {  	_ =	shalt  }
0x43: {  	_ =	shalt  }
0x44: {  	_ =	shalt  }
0x45: {  	_ =	shalt  }
0x46: {  	_ =	shalt  }
0x47: {  	_ =	shalt  }
0x48: {  	_ =	shalt  }
0x49: {  	_ =	shalt  }
0x4a: {  	_ =	shalt  }
0x4b: {  	_ =	shalt  }
0x4c: {  	_ =	shalt  }
0x4d: {  	_ =	shalt  }
0x4e: {  	_ =	shalt  }
0x4f: {  	_ =	shalt  }
0x50: {  	_ =	shalt  }
0x51: {  	_ =	shalt  }
0x52: {  	_ =	shalt  }
0x53: {  	_ =	shalt  }
0x54: {  	_ =	shalt  }
0x55: {  	_ =	shalt  }
0x56: {  	_ =	shalt  }
0x57: {  	_ =	shalt  }
0x58: {  	_ =	shalt  }
0x59: {  	_ =	shalt  }
0x5a: {  	_ =	shalt  }
0x5b: {  	_ =	shalt  }
0x5c: {  	_ =	shalt  }
0x5d: {  	_ =	shalt  }
0x5e: {  	_ =	shalt  }
0x5f: {  	_ =	shalt  }
0x60: {  	_ =	shalt  }
0x61: {  	_ =	shalt  }
0x62: {  	_ =	shalt  }
0x63: {  	_ =	shalt  }
0x64: {  	_ =	shalt  }
0x65: {  	_ =	shalt  }
0x66: {  	_ =	shalt  }
0x67: {  	_ =	shalt  }
0x68: {  	_ =	shalt  }
0x69: {  	_ =	shalt  }
0x6a: {  	_ =	shalt  }
0x6b: {  	_ =	shalt  }
0x6c: {  	_ =	shalt  }
0x6d: {  	_ =	shalt  }
0x6e: {  	_ =	shalt  }
0x6f: {  	_ =	shalt  }
0x70: {  	_ =	shalt  }
0x71: {  	_ =	shalt  }
0x72: {  	_ =	shalt  }
0x73: {  	_ =	shalt  }
0x74: {  	_ =	shalt  }
0x75: {  	_ =	shalt  }
0x76: {  	_ =	shalt  }
0x77: {  	_ =	shalt  }
0x78: {  	_ =	shalt  }
0x79: {  	_ =	shalt  }
0x7a: {  	_ =	shalt  }
0x7b: {  	_ =	shalt  }
0x7c: {  	_ =	shalt  }
0x7d: {  	_ =	shalt  }
0x7e: {  	_ =	shalt  }
0x7f: {  	_ =	shalt  }
0x80: {  	_ =	shalt  }
0x81: {  	_ =	shalt  }
0x82: {  	_ =	shalt  }
0x83: {  	_ =	shalt  }
0x84: {  	_ =	shalt  }
0x85: {  	_ =	shalt  }
0x86: {  	_ =	shalt  }
0x87: {  	_ =	shalt  }
.Lfunc_end0:
.L_simem_size_0:
called_computation_lowered:
.L_overlay_start_0:
0x88: {  	s2 =	sld [smem:$0x3FD9]  }
0x89: {  	s3 =	sld [smem:$0x3FFE];
	_ =	sdelay $0x1  }
0x8a: {  	s1 =	srdreg.scid  }
0x8b: {  	s0 =	sand.u32 $0x1, s1  }
0x8c: {  	s14 =	sshll.u32 s0, $0xA;
	s2 =	sadd.s32 s3, s2  }
0x8d: {  	s2 =	sadd.s32 s2, s14  }
0x8e: {  	[smem:$0x3FC6] =	sst s2  }
0x8f: {  	_ = 	snop  }
0x90: {  	s2 =	sld [smem:$0x3FD0];
	_ =	sdelay $0x1  }
0x91: {  	s15 =	sld [smem:$0x3FC9]  }
0x92: {  	s5 =	simm.s32 $0xA;
	s6 =	simm.s32 $0x10;
	s4 =	sld [smem:$0x3FC8]  }
0x93: {  	[smem:s6], [sflag:s5] =	dma.local [hbm:s2], $0x1  }
0x94: {  	_ =	swait.eq [sflag:s5], $0x1  }
0x95: {  	[sflag:s5] =	ssyncset.done $0x0  }
0x96: {  	[sflag:s5] =	ssyncadd.s32 $0xFFFFFFFF  }
0x97: {  	s16 =	sld [smem:$0x10];
	(tm) =	ssettm $0x1  }
0x98: {  	s17 =	sld [smem:$0x3FFB];
	_ =	sdelay $0x3  }
0x99: {  	_ =	strace s17  }
0x9a: {  	s5 =	sld [smem:$0x3FFC];
	_ =	sdelay $0x3  }
0x9b: {  	_ =	strace s5  }
0x9c: {  	s5 =	sld [smem:$0x3FFD];
	_ =	sdelay $0x3  }
0x9d: {  	_ =	strace s5  }
0x9e: {  	_ =	strace $0x8FFFFFFF  }
0x9f: {  	s18 =	sld [smem:$0x3FDB];
	_ =	sdelay $0x1  }
0xa0: {  	s19 =	simm.s32 $_scs_section_size  }
0xa1: {  	s7 =	simm.s32 $_size__tile_overlayer_lowered;
	s8 =	simm.s32 $_tile_overlayer_lowered  }
0xa2: {  	s22 =	simm.s32 $0x1BFF;
	s21 =	sshll.u32 s8, $0x1;
	s5 =	sadd.s32 s19, s18  }
0xa3: {  	s9 =	simm.s32 $0x0;
	s20 =	sshll.u32 s7, $0x1;
	s7 =	sadd.s32 s21, s5  }
0xa4: {  	[timem:s9], [sflag:s22] =	dma.local [hbm:s7], s20  }
0xa5: {  	_ =	swait.ge [sflag:s22], s20  }
0xa6: {  	s6 =	ssub.s32 $0x0, s20;
	[sflag:s22] =	ssyncset.done $0x0  }
0xa7: {  	[sflag:s22] =	ssyncadd.s32 s6;
	_ =	sdelay $0x1  }
0xa8: {  	s23 =	simm.s32 $0x1B8B  }
0xa9: {  	_ =	swait.ge [sflag:s23], $0x1  }
0xaa: {  	[sflag:s23] =	ssyncset.done $0x0  }
0xab: {  	s25 =	simm.s32 $0x1B8E;
	s24 =	sld [smem:$0x3FFE];
	[sflag:s23] =	ssyncadd.s32 $0xFFFFFFFF  }
0xac: {  	s26 =	simm.s32 $execute0_lowered;
	[smem:$0x3FD2] =	sst s25  }
0xad: {  	s7 =	sshll.u32 s26, $0x1;
	_ =	strace $0x80000046;
	[dreg:$0x1] =	wrdreg $0xFFFFFFFF  }
0xae: {  	s28 =	simm.s32 $_size_execute0_lowered;
	s5 =	sadd.s32 s5, s7;
	[dreg:$0x0] =	wrdreg $0x0  }
0xaf: {  	s7 =	sshll.u32 s28, $0x1;
	[dreg:$0x2] =	wrdreg s5  }
0xb0: {  	[dreg:$0x3] =	wrdreg s7  }
0xb1: {  	[dreg:$0x4] =	wrdreg $0xC0  }
0xb2: {  	_ =	task [dreg:s9], $0x5FFFF  }
0xb3: {  	[dreg:$0x1] =	wrdreg $0xFFFFFFFF  }
0xb4: {  	[dreg:$0x0] =	wrdreg $0x60  }
0xb5: {  	[dreg:$0x2] =	wrdreg s15  }
0xb6: {  	[dreg:$0x3] =	wrdreg s4  }
0xb7: {  	[dreg:$0x4] =	wrdreg s16  }
0xb8: {  	[dreg:$0x5] =	wrdreg s24  }
0xb9: {  	[dreg:$0x6] =	wrdreg $0x182000  }
0xba: {  	[dreg:$0x7] =	wrdreg $0x1A2000  }
0xbb: {  	[dreg:$0x8] =	wrdreg $0x9  }
0xbc: {  	_ =	task.clear_ibuf [dreg:s9], $0x9FFFF;
	_ =	strace $0x90000046  }
0xbd: {  	s29 =	simm.s32 $0x9;
	_ =	strace $0x80000048  }
0xbe: {  	_ =	swait.ge [sflag:s29], $0x1  }
0xbf: {  	[sflag:s29] =	ssyncadd.s32 $0xFFFFFFFF  }
0xc0: {  	_ =	strace $0x90000048  }
0xc1: {  	_ =	sfence  }
0xc2: {  	s30 =	sld [smem:$0x0];
	_ =	sdelay $0x2  }
0xc3: {  	s31 =	sshll.u32 s1, $0xD;
	s1 =	sshrl.u32 s1, $0x2  }
0xc4: {  	s3 =	sand.u32 $0x4000, s31;
	s1 =	sadd.s32 s1, s30  }
0xc5: {  	s0 =	sor.u32 s3, s0;
	s1 =	sshll.u32 s1, $0x11  }
0xc6: {  	s0 =	sor.u32 s1, s0  }
0xc7: {  	s0 =	sadd.s32 $0x8F2B, s0  }
0xc8: {  	[sflag:s0] =	ssyncadd.remote.s32 $0x1  }
0xc9: {  	_ =	sfence.sel $0xFFFF  }
0xca: {  	[dreg:$0x0] =	wrdreg $0xFFFFFFFF;
	(pc) =	sbr.abs _section_cstart, $3  }
0xcb: {  	[dreg:$0x1] =	wrdreg $0xFFFFFFFF  }
0xcc: {  	_ =	task.clear_ibuf [dreg:s9], $0x2FFFF;
	_ =	strace $0x9FFFFFFF  }
0xcd: {  	(tm) =	ssettm $0x7FFFFFFF  }
tec
execute0_lowered:
.L_overlay_start_1:
0x0: {  	(tag) =	ssettag $0x1  }
0x1: {  	s0 =	rddreg [dreg:$0x0]  }
0x2: {  	s1 =	rddreg [dreg:$0x1]  }
0x3: {  	s5 =	rddreg [dreg:$0x2]  }
0x4: {  	s6 =	rddreg [dreg:$0x3]  }
0x5: {  	s2 =	rddreg [dreg:$0x4]  }
0x6: {  	s3 =	rddreg [dreg:$0x5];
	s4 =	srdreg.scid  }
0x7: {  	s9 =	stileid.u32;
	s15 =	simm.s32 $0x10000;
	s16 =	simm.s32 $0x4000  }
0x8: {  	s17 =	simm.s32 $0x8000;
	s18 =	simm.s32 $0xC000;
	s21 =	simm.s32 $0x5  }
0x9: {  	s22 =	simm.s32 $0x6;
	s28 =	simm.s32 $0x10080;
	s29 =	simm.s32 $0x3  }
0xa: {  	s30 =	simm.s32 $0x10100;
	s31 =	simm.s32 $0x4;
	s19 =	simm.s32 $0x7  }
0xb: {  	s20 =	simm.s32 $0x0;
	s7 =	sand.u32 $0x1, s4;
	s4 =	simm.s32 $0x0  }
0xc: {  	s11 =	sshll.u32 s9, $0xD;
	s8 =	sshll.u32 s7, $0x11;
	[smem:$0x7FF] =	sst s4  }
0xd: {  	s23 =	sshll.u32 s7, $0x4;
	s24 =	ssub.s32 $0x2, s7;
	s10 =	sadd.s32 s11, s2  }
0xe: {  	s8 =	sor.u32 s11, s8;
	_ =	strace $0x80000047;
	s25 =	sor.u32 s9, s23  }
0xf: {  	s26 =	sshrl.u32 s24, $0x1;
	s11 =	sadd.s32 s11, s3;
	s23 =	simm.s32 $0x1  }
0x10: {  	s12 =	sshrl.u32 s8, $0x3;
	s9 =	sshll.u32 s25, $0x6;
	s7 =	sshll.u32 s25, $0xD  }
0x11: {  	s14 =	ssub.s32 s24, s26;
	s24 =	simm.s32 $0x80;
	s25 =	simm.s32 $0x10200  }
0x12: {  	s26 =	simm.s32 $0x2;
	s13 =	sadd.s32 s12, s6;
	s1 =	sadd.s32 s1, s9  }
0x13: {  	s6 =	sadd.s32 s0, s7;
	s12 =	sadd.s32 s5, s12;
	s14 =	smax.u32 s14, $0x1  }
0x14: {  	s0 =	simm.s32 $0x10180;
	[dreg:$0x7] =	wrdreg s1;
	s7 =	sadd.s32 $0x800, s6  }
0x15: {  	v0 =	vimm.f32 $0.0e+00;
	v1 =	vimm.f32 $1.000000000e+00;
	s8 =	sadd.s32 $0x1000, s6;
	s9 =	sadd.s32 $0x1800, s6;
	s13 =	sadd.s32 $0x800, s13  }
.LBB2_1:
0x16: {  	s1 =	rddreg [dreg:$0x7]  }
0x17: {  	[tilespmem:s15], [sflag:$0x6] =	stream.linear.gather [hbm4b:s1+s4], $0x200, $0x38;
	[tilespmem:$0x1A600] =	vst v63  }
0x18: {  	_ = 	snop  }
0x19: {  	[tilespmem:s4], [sflag:$0x1] =	stream.linear.gather [hbm4b:s6+s4], $0x4000, $0x38;
	[tilespmem:$0x1A600] =	vst v63  }
0x1a: {  	_ = 	snop  }
0x1b: {  	[tilespmem:s16], [sflag:$0x2] =	stream.linear.gather [hbm4b:s7+s4], $0x4000, $0x38;
	[tilespmem:$0x1A600] =	vst v63  }
0x1c: {  	_ = 	snop  }
0x1d: {  	[tilespmem:s17], [sflag:$0x3] =	stream.linear.gather [hbm4b:s8+s4], $0x4000, $0x38;
	[tilespmem:$0x1A600] =	vst v63  }
0x1e: {  	s5 =	simm.s32 $0x1000;
	s1 =	simm.s32 $0x0  }
0x1f: {  	[tilespmem:s18], [sflag:$0x4] =	stream.linear.gather [hbm4b:s9+s4], $0x4000, $0x38;
	[tilespmem:$0x1A600] =	vst v63  }
.LBB2_2:
0x20: {  	p0 =	sne.s32 s5, $0x7000;
	[tilespmem:s1+$0x145F0] =	vst v0  }
0x21: {  	[tilespmem:s1+$0x14200] =	vst v0  }
0x22: {  	[tilespmem:s1+$0x14210] =	vst v0  }
0x23: {  	[tilespmem:s1+$0x14220] =	vst v0  }
0x24: {  	[tilespmem:s1+$0x14230] =	vst v0  }
0x25: {  	[tilespmem:s1+$0x14240] =	vst v0  }
0x26: {  	[tilespmem:s1+$0x14250] =	vst v0  }
0x27: {  	[tilespmem:s1+$0x14260] =	vst v0  }
0x28: {  	[tilespmem:s1+$0x14270] =	vst v0  }
0x29: {  	[tilespmem:s1+$0x14280] =	vst v0  }
0x2a: {  	[tilespmem:s1+$0x14290] =	vst v0  }
0x2b: {  	[tilespmem:s1+$0x142A0] =	vst v0  }
0x2c: {  	[tilespmem:s1+$0x142B0] =	vst v0  }
0x2d: {  	[tilespmem:s1+$0x142C0] =	vst v0  }
0x2e: {  	[tilespmem:s1+$0x142D0] =	vst v0  }
0x2f: {  	[tilespmem:s1+$0x142E0] =	vst v0  }
0x30: {  	[tilespmem:s1+$0x142F0] =	vst v0  }
0x31: {  	[tilespmem:s1+$0x14300] =	vst v0  }
0x32: {  	[tilespmem:s1+$0x14310] =	vst v0  }
0x33: {  	[tilespmem:s1+$0x14320] =	vst v0  }
0x34: {  	[tilespmem:s1+$0x14330] =	vst v0  }
0x35: {  	[tilespmem:s1+$0x14340] =	vst v0  }
0x36: {  	[tilespmem:s1+$0x14350] =	vst v0  }
0x37: {  	[tilespmem:s1+$0x14360] =	vst v0  }
0x38: {  	[tilespmem:s1+$0x14370] =	vst v0  }
0x39: {  	[tilespmem:s1+$0x14380] =	vst v0  }
0x3a: {  	[tilespmem:s1+$0x14390] =	vst v0  }
0x3b: {  	[tilespmem:s1+$0x143A0] =	vst v0  }
0x3c: {  	[tilespmem:s1+$0x143B0] =	vst v0  }
0x3d: {  	[tilespmem:s1+$0x143C0] =	vst v0  }
0x3e: {  	[tilespmem:s1+$0x143D0] =	vst v0  }
0x3f: {  	[tilespmem:s1+$0x143E0] =	vst v0  }
0x40: {  	[tilespmem:s1+$0x143F0] =	vst v0  }
0x41: {  	[tilespmem:s1+$0x14400] =	vst v0  }
0x42: {  	[tilespmem:s1+$0x14410] =	vst v0  }
0x43: {  	[tilespmem:s1+$0x14420] =	vst v0  }
0x44: {  	[tilespmem:s1+$0x14430] =	vst v0  }
0x45: {  	[tilespmem:s1+$0x14440] =	vst v0  }
0x46: {  	[tilespmem:s1+$0x14450] =	vst v0  }
0x47: {  	[tilespmem:s1+$0x14460] =	vst v0  }
0x48: {  	[tilespmem:s1+$0x14470] =	vst v0  }
0x49: {  	[tilespmem:s1+$0x14480] =	vst v0  }
0x4a: {  	[tilespmem:s1+$0x14490] =	vst v0  }
0x4b: {  	[tilespmem:s1+$0x144A0] =	vst v0  }
0x4c: {  	[tilespmem:s1+$0x144B0] =	vst v0  }
0x4d: {  	[tilespmem:s1+$0x144C0] =	vst v0  }
0x4e: {  	[tilespmem:s1+$0x144D0] =	vst v0  }
0x4f: {  	[tilespmem:s1+$0x144E0] =	vst v0  }
0x50: {  	[tilespmem:s1+$0x144F0] =	vst v0  }
0x51: {  	[tilespmem:s1+$0x14500] =	vst v0  }
0x52: {  	[tilespmem:s1+$0x14510] =	vst v0  }
0x53: {  	[tilespmem:s1+$0x14520] =	vst v0  }
0x54: {  	[tilespmem:s1+$0x14530] =	vst v0  }
0x55: {  	[tilespmem:s1+$0x14540] =	vst v0  }
0x56: {  	[tilespmem:s1+$0x14550] =	vst v0  }
0x57: {  	[tilespmem:s1+$0x14560] =	vst v0  }
0x58: {  	[tilespmem:s1+$0x14570] =	vst v0  }
0x59: {  	[tilespmem:s1+$0x14580] =	vst v0  }
0x5a: {  	[tilespmem:s1+$0x14590] =	vst v0  }
.Ltmp0:
0x5b: {  	[tilespmem:s1+$0x145A0] =	vst v0;
	(pc) =	sbr.rel @p0 .LBB2_2-.Ltmp0, $4  }
0x5c: {  	[tilespmem:s1+$0x145B0] =	vst v0  }
0x5d: {  	[tilespmem:s1+$0x145C0] =	vst v0  }
0x5e: {  	[tilespmem:s1+$0x145D0] =	vst v0  }
0x5f: {  	[tilespmem:s1+$0x145E0] =	vst v0;
	s1 =	sshra.s32 s5, $0x2;
	s5 =	sadd.s32 $0x1000, s5  }
0x60: {  	[tilespmem:s1+$0x145F0] =	vst v0  }
0x61: {  	[tilespmem:s1+$0x14200] =	vst v0  }
0x62: {  	[tilespmem:s1+$0x14210] =	vst v0  }
0x63: {  	[tilespmem:s1+$0x14220] =	vst v0  }
0x64: {  	[tilespmem:s1+$0x14230] =	vst v0  }
0x65: {  	[tilespmem:s1+$0x14240] =	vst v0  }
0x66: {  	[tilespmem:s1+$0x14250] =	vst v0  }
0x67: {  	[tilespmem:s1+$0x14260] =	vst v0  }
0x68: {  	[tilespmem:s1+$0x14270] =	vst v0  }
0x69: {  	[tilespmem:s1+$0x14280] =	vst v0  }
0x6a: {  	[tilespmem:s1+$0x14290] =	vst v0  }
0x6b: {  	[tilespmem:s1+$0x142A0] =	vst v0  }
0x6c: {  	[tilespmem:s1+$0x142B0] =	vst v0  }
0x6d: {  	[tilespmem:s1+$0x142C0] =	vst v0  }
0x6e: {  	[tilespmem:s1+$0x142D0] =	vst v0  }
0x6f: {  	[tilespmem:s1+$0x142E0] =	vst v0  }
0x70: {  	[tilespmem:s1+$0x142F0] =	vst v0  }
0x71: {  	[tilespmem:s1+$0x14300] =	vst v0  }
0x72: {  	[tilespmem:s1+$0x14310] =	vst v0  }
0x73: {  	[tilespmem:s1+$0x14320] =	vst v0  }
0x74: {  	[tilespmem:s1+$0x14330] =	vst v0  }
0x75: {  	[tilespmem:s1+$0x14340] =	vst v0  }
0x76: {  	[tilespmem:s1+$0x14350] =	vst v0  }
0x77: {  	[tilespmem:s1+$0x14360] =	vst v0  }
0x78: {  	[tilespmem:s1+$0x14370] =	vst v0  }
0x79: {  	[tilespmem:s1+$0x14380] =	vst v0  }
0x7a: {  	[tilespmem:s1+$0x14390] =	vst v0  }
0x7b: {  	[tilespmem:s1+$0x143A0] =	vst v0  }
0x7c: {  	[tilespmem:s1+$0x143B0] =	vst v0  }
0x7d: {  	[tilespmem:s1+$0x143C0] =	vst v0  }
0x7e: {  	[tilespmem:s1+$0x143D0] =	vst v0  }
0x7f: {  	[tilespmem:s1+$0x143E0] =	vst v0  }
0x80: {  	[tilespmem:s1+$0x143F0] =	vst v0  }
0x81: {  	[tilespmem:s1+$0x14400] =	vst v0  }
0x82: {  	[tilespmem:s1+$0x14410] =	vst v0  }
0x83: {  	[tilespmem:s1+$0x14420] =	vst v0  }
0x84: {  	[tilespmem:s1+$0x14430] =	vst v0  }
0x85: {  	[tilespmem:s1+$0x14440] =	vst v0  }
0x86: {  	[tilespmem:s1+$0x14450] =	vst v0  }
0x87: {  	[tilespmem:s1+$0x14460] =	vst v0  }
0x88: {  	[tilespmem:s1+$0x14470] =	vst v0  }
0x89: {  	[tilespmem:s1+$0x14480] =	vst v0  }
0x8a: {  	[tilespmem:s1+$0x14490] =	vst v0  }
0x8b: {  	[tilespmem:s1+$0x144A0] =	vst v0  }
0x8c: {  	[tilespmem:s1+$0x144B0] =	vst v0  }
0x8d: {  	[tilespmem:s1+$0x144C0] =	vst v0  }
0x8e: {  	[tilespmem:s1+$0x144D0] =	vst v0  }
0x8f: {  	[tilespmem:s1+$0x144E0] =	vst v0  }
0x90: {  	[tilespmem:s1+$0x144F0] =	vst v0  }
0x91: {  	[tilespmem:s1+$0x14500] =	vst v0  }
0x92: {  	[tilespmem:s1+$0x14510] =	vst v0  }
0x93: {  	[tilespmem:s1+$0x14520] =	vst v0  }
0x94: {  	[tilespmem:s1+$0x14530] =	vst v0  }
0x95: {  	[tilespmem:s1+$0x14540] =	vst v0  }
0x96: {  	[tilespmem:s1+$0x14550] =	vst v0  }
0x97: {  	[tilespmem:s1+$0x14560] =	vst v0  }
0x98: {  	[tilespmem:s1+$0x14570] =	vst v0  }
0x99: {  	[tilespmem:s1+$0x14580] =	vst v0  }
0x9a: {  	[tilespmem:s1+$0x14590] =	vst v0  }
0x9b: {  	[tilespmem:s1+$0x145A0] =	vst v0  }
0x9c: {  	[tilespmem:s1+$0x145B0] =	vst v0  }
0x9d: {  	[tilespmem:s1+$0x145C0] =	vst v0  }
0x9e: {  	[tilespmem:s1+$0x145D0] =	vst v0  }
0x9f: {  	[tilespmem:s1+$0x145E0] =	vst v0  }
0xa0: {  	[tilespmem:$0x16200] =	vst v0  }
0xa1: {  	[tilespmem:$0x16280] =	vst v0  }
0xa2: {  	[tilespmem:$0x16300] =	vst v0  }
0xa3: {  	[tilespmem:$0x16380] =	vst v0  }
0xa4: {  	[tilespmem:$0x16400] =	vst v0  }
0xa5: {  	[tilespmem:$0x16480] =	vst v0  }
0xa6: {  	[tilespmem:$0x16500] =	vst v0  }
0xa7: {  	[tilespmem:$0x16580] =	vst v0  }
0xa8: {  	[tilespmem:$0x16600] =	vst v0  }
0xa9: {  	[tilespmem:$0x16680] =	vst v0  }
0xaa: {  	[tilespmem:$0x16700] =	vst v0  }
0xab: {  	[tilespmem:$0x16780] =	vst v0  }
0xac: {  	[tilespmem:$0x16800] =	vst v0  }
0xad: {  	[tilespmem:$0x16880] =	vst v0  }
0xae: {  	[tilespmem:$0x16900] =	vst v0  }
0xaf: {  	[tilespmem:$0x16980] =	vst v0  }
0xb0: {  	[tilespmem:$0x16A00] =	vst v0  }
0xb1: {  	[tilespmem:$0x16A80] =	vst v0  }
0xb2: {  	[tilespmem:$0x16B00] =	vst v0  }
0xb3: {  	[tilespmem:$0x16B80] =	vst v0  }
0xb4: {  	[tilespmem:$0x16C00] =	vst v0  }
0xb5: {  	[tilespmem:$0x16C80] =	vst v0  }
0xb6: {  	[tilespmem:$0x16D00] =	vst v0  }
0xb7: {  	[tilespmem:$0x16D80] =	vst v0  }
0xb8: {  	[tilespmem:$0x16E00] =	vst v0  }
0xb9: {  	[tilespmem:$0x16E80] =	vst v0  }
0xba: {  	[tilespmem:$0x16F00] =	vst v0  }
0xbb: {  	[tilespmem:$0x16F80] =	vst v0  }
0xbc: {  	[tilespmem:$0x17000] =	vst v0  }
0xbd: {  	[tilespmem:$0x17080] =	vst v0  }
0xbe: {  	[tilespmem:$0x17100] =	vst v0  }
0xbf: {  	[tilespmem:$0x17180] =	vst v0  }
0xc0: {  	[tilespmem:$0x17200] =	vst v0  }
0xc1: {  	[tilespmem:$0x17280] =	vst v0  }
0xc2: {  	[tilespmem:$0x17300] =	vst v0  }
0xc3: {  	[tilespmem:$0x17380] =	vst v0  }
0xc4: {  	[tilespmem:$0x17400] =	vst v0  }
0xc5: {  	[tilespmem:$0x17480] =	vst v0  }
0xc6: {  	[tilespmem:$0x17500] =	vst v0  }
0xc7: {  	[tilespmem:$0x17580] =	vst v0  }
0xc8: {  	[tilespmem:$0x17600] =	vst v0  }
0xc9: {  	[tilespmem:$0x17680] =	vst v0  }
0xca: {  	[tilespmem:$0x17700] =	vst v0  }
0xcb: {  	[tilespmem:$0x17780] =	vst v0  }
0xcc: {  	[tilespmem:$0x17800] =	vst v0  }
0xcd: {  	[tilespmem:$0x17880] =	vst v0  }
0xce: {  	[tilespmem:$0x17900] =	vst v0  }
0xcf: {  	[tilespmem:$0x17980] =	vst v0  }
0xd0: {  	[tilespmem:$0x17A00] =	vst v0  }
0xd1: {  	[tilespmem:$0x17A80] =	vst v0  }
0xd2: {  	[tilespmem:$0x17B00] =	vst v0  }
0xd3: {  	[tilespmem:$0x17B80] =	vst v0  }
0xd4: {  	[tilespmem:$0x17C00] =	vst v0  }
0xd5: {  	[tilespmem:$0x17C80] =	vst v0  }
0xd6: {  	[tilespmem:$0x17D00] =	vst v0  }
0xd7: {  	[tilespmem:$0x17D80] =	vst v0  }
0xd8: {  	[tilespmem:$0x17E00] =	vst v0  }
0xd9: {  	[tilespmem:$0x17E80] =	vst v0  }
0xda: {  	[tilespmem:$0x17F00] =	vst v0  }
0xdb: {  	[tilespmem:$0x17F80] =	vst v0  }
0xdc: {  	[tilespmem:$0x18000] =	vst v0  }
0xdd: {  	[tilespmem:$0x18080] =	vst v0  }
0xde: {  	[tilespmem:$0x18100] =	vst v0  }
0xdf: {  	s1 =	simm.s32 $0x0;
	s5 =	simm.s32 $0x1000;
	[tilespmem:$0x18180] =	vst v0  }
.LBB2_4:
0xe0: {  	p0 =	sne.s32 s5, $0xF000;
	[tilespmem:s1+$0x10580] =	vst v1  }
0xe1: {  	[tilespmem:s1+$0x10200] =	vst v1  }
0xe2: {  	[tilespmem:s1+$0x10280] =	vst v1  }
.Ltmp1:
0xe3: {  	[tilespmem:s1+$0x10300] =	vst v1;
	(pc) =	sbr.rel @p0 .LBB2_4-.Ltmp1, $4  }
0xe4: {  	[tilespmem:s1+$0x10380] =	vst v1  }
0xe5: {  	[tilespmem:s1+$0x10400] =	vst v1  }
0xe6: {  	[tilespmem:s1+$0x10480] =	vst v1  }
0xe7: {  	[tilespmem:s1+$0x10500] =	vst v1;
	s1 =	sshra.s32 s5, $0x2;
	s5 =	sadd.s32 $0x1000, s5  }
0xe8: {  	[tilespmem:s1+$0x10580] =	vst v1  }
0xe9: {  	[tilespmem:s1+$0x10200] =	vst v1  }
0xea: {  	[tilespmem:s1+$0x10280] =	vst v1  }
0xeb: {  	[tilespmem:s1+$0x10300] =	vst v1  }
0xec: {  	[tilespmem:s1+$0x10380] =	vst v1  }
0xed: {  	[tilespmem:s1+$0x10400] =	vst v1  }
0xee: {  	[tilespmem:s1+$0x10480] =	vst v1  }
0xef: {  	[tilespmem:s1+$0x10500] =	vst v1;
	s5 =	simm.s32 $0x14200  }
0xf0: {  	[spmem:s10] =	stream.linear.scatter [tilespmem:s5], [sflag:$0x5], $0x2000, $0x38;
	[tilespmem:$0x1A600] =	vst v63  }
0xf1: {  	s5 =	simm.s32 $0x16200  }
0xf2: {  	[spmem:s11] =	stream.linear.scatter [tilespmem:s5], [sflag:$0x5], $0x2000, $0x38;
	[tilespmem:$0x1A600] =	vst v63  }
0xf3: {  	_ =	swait.ge [sflag:s21], $0x2000  }
0xf4: {  	[sflag:s21] =	ssyncset.done $0x0  }
0xf5: {  	[sflag:s21] =	ssyncadd.s32 $0xFFFFE000  }
0xf6: {  	_ =	swait.ge [sflag:s21], $0x2000  }
0xf7: {  	[sflag:s21] =	ssyncset.done $0x0  }
0xf8: {  	[sflag:s21] =	ssyncadd.s32 $0xFFFFE000  }
0xf9: {  	_ =	swait.ge [sflag:s22], $0x200  }
0xfa: {  	[sflag:s22] =	ssyncset.done $0x0  }
0xfb: {  	[sflag:s22] =	ssyncadd.s32 $0xFFFFFE00  }
0xfc: {  	[bflag:$0x0] =	sbarrier.arrive $0xFFFF  }
0xfd: {  	_ =	swait.ge [sflag:s23], $0x4000  }
0xfe: {  	[sflag:s23] =	ssyncset.done $0x0  }
0xff: {  	[sflag:s23] =	ssyncadd.s32 $0xFFFFC000  }
0x100: {  	[spmem:s2] =	stream.indirect.scatter.add.f32 [tilespmem:s4], [sflag:$0x7], $0x80, s15, s24, $0xb8;
	[tilespmem:$0x1A600] =	vst v63  }
0x101: {  	_ = 	snop  }
0x102: {  	[spmem:s3] =	stream.indirect.scatter.add.f32 [tilespmem:s25], [sflag:$0x7], $0x10, s15, s24, $0xb8;
	[tilespmem:$0x1A600] =	vst v63  }
0x103: {  	_ =	swait.ge [sflag:s26], $0x4000  }
0x104: {  	[sflag:s26] =	ssyncset.done $0x0  }
0x105: {  	[sflag:s26] =	ssyncadd.s32 $0xFFFFC000  }
0x106: {  	[spmem:s2] =	stream.indirect.scatter.add.f32 [tilespmem:s16], [sflag:$0x7], $0x80, s28, s24, $0xb8;
	[tilespmem:$0x1A600] =	vst v63  }
0x107: {  	_ = 	snop  }
0x108: {  	[spmem:s3] =	stream.indirect.scatter.add.f32 [tilespmem:s25], [sflag:$0x7], $0x10, s28, s24, $0xb8;
	[tilespmem:$0x1A600] =	vst v63  }
0x109: {  	_ =	swait.ge [sflag:s29], $0x4000  }
0x10a: {  	[sflag:s29] =	ssyncset.done $0x0  }
0x10b: {  	[sflag:s29] =	ssyncadd.s32 $0xFFFFC000  }
0x10c: {  	[spmem:s2] =	stream.indirect.scatter.add.f32 [tilespmem:s17], [sflag:$0x7], $0x80, s30, s24, $0xb8;
	[tilespmem:$0x1A600] =	vst v63  }
0x10d: {  	_ = 	snop  }
0x10e: {  	[spmem:s3] =	stream.indirect.scatter.add.f32 [tilespmem:s25], [sflag:$0x7], $0x10, s30, s24, $0xb8;
	[tilespmem:$0x1A600] =	vst v63  }
0x10f: {  	_ =	swait.ge [sflag:s31], $0x4000  }
0x110: {  	[sflag:s31] =	ssyncset.done $0x0  }
0x111: {  	[sflag:s31] =	ssyncadd.s32 $0xFFFFC000  }
0x112: {  	[spmem:s2] =	stream.indirect.scatter.add.f32 [tilespmem:s18], [sflag:$0x7], $0x80, s0, s24, $0xb8;
	[tilespmem:$0x1A600] =	vst v63  }
0x113: {  	_ = 	snop  }
0x114: {  	[spmem:s3] =	stream.indirect.scatter.add.f32 [tilespmem:s25], [sflag:$0x7], $0x10, s0, s24, $0xb8;
	[tilespmem:$0x1A600] =	vst v63  }
0x115: {  	_ =	swait.ge [sflag:s19], $0x4000  }
0x116: {  	[sflag:s19] =	ssyncset.done $0x0  }
0x117: {  	[sflag:s19] =	ssyncadd.s32 $0xFFFFC000  }
0x118: {  	_ =	swait.ge [sflag:s19], $0x800  }
0x119: {  	[sflag:s19] =	ssyncset.done $0x0  }
0x11a: {  	[sflag:s19] =	ssyncadd.s32 $0xFFFFF800  }
0x11b: {  	_ =	swait.ge [sflag:s19], $0x4000  }
0x11c: {  	[sflag:s19] =	ssyncset.done $0x0  }
0x11d: {  	[sflag:s19] =	ssyncadd.s32 $0xFFFFC000  }
0x11e: {  	_ =	swait.ge [sflag:s19], $0x800  }
0x11f: {  	[sflag:s19] =	ssyncset.done $0x0  }
0x120: {  	[sflag:s19] =	ssyncadd.s32 $0xFFFFF800  }
0x121: {  	_ =	swait.ge [sflag:s19], $0x4000  }
0x122: {  	[sflag:s19] =	ssyncset.done $0x0  }
0x123: {  	[sflag:s19] =	ssyncadd.s32 $0xFFFFC000  }
0x124: {  	_ =	swait.ge [sflag:s19], $0x800  }
0x125: {  	[sflag:s19] =	ssyncset.done $0x0  }
0x126: {  	[sflag:s19] =	ssyncadd.s32 $0xFFFFF800  }
0x127: {  	_ =	swait.ge [sflag:s19], $0x4000  }
0x128: {  	[sflag:s19] =	ssyncset.done $0x0  }
0x129: {  	[sflag:s19] =	ssyncadd.s32 $0xFFFFC000  }
0x12a: {  	_ =	swait.ge [sflag:s19], $0x800  }
0x12b: {  	s5 =	stileid.u32;
	[sflag:s19] =	ssyncset.done $0x0  }
0x12c: {  	s1 =	sshll.u32 s5, $0x6;
	[sflag:s19] =	ssyncadd.s32 $0xFFFFF800  }
0x12d: {  	s5 =	sshrl.u32 s10, $0x3;
	s1 =	sor.u32 $0x1C05, s1;
	[bflag:$0x0] =	sbarrier.arrive $0xFFFF  }
0x12e: {  	[hbm:s12], [sflag:s1] =	dma.local [spmem:s5], $0x400  }
0x12f: {  	s20 =	sadd.s32 $0x1, s20;
	s5 =	sshrl.u32 s11, $0x3  }
0x130: {  	[hbm:s13], [sflag:s1] =	dma.local [spmem:s5], $0x400  }
0x131: {  	p0 =	sne.s32 s20, s14;
	_ =	swait.ge [sflag:s21], $0x400  }
.Ltmp2:
0x132: {  	[sflag:s21] =	ssyncset.done $0x0;
	(pc) =	sbr.rel @p0 .LBB2_1-.Ltmp2, $4  }
0x133: {  	[sflag:s21] =	ssyncadd.s32 $0xFFFFFC00  }
0x134: {  	_ =	swait.ge [sflag:s21], $0x400  }
0x135: {  	[sflag:s21] =	ssyncset.done $0x0  }
0x136: {  	[sflag:s21] =	ssyncadd.s32 $0xFFFFFC00  }
0x137: {  	_ =	sfence.sel $0x180000  }
0x138: {  	[bflag:$0x0] =	sbarrier.arrive $0xFFFF  }
0x139: {  	_ =	strace $0x90000047  }
0x13a: {  	s0 =	stileid.u32;
	[bflag:$0x2] =	sbarrier.arrive $0xFFFF  }
0x13b: {  	p0 =	sne.s32 s0, $0x0;
	s0 =	rddreg [dreg:$0x6]  }
0x13c: {  	s0 =	sadd.s32 @!p0 $0x100000, s0  }
0x13d: {  	[sflag:s0] =	ssyncadd.tile.s32 @!p0 $0x1;
	_ =	shalt  }
.Lfunc_end2:
_tile_overlayer_lowered:
.L_overlay_start_2:
0x13e: {  	(tag) =	ssettag $0x2  }
0x13f: {  	s0 =	rddreg [dreg:$0x0];
	s2 =	stileid.u32  }
0x140: {  	s1 =	rddreg [dreg:$0x1];
	p0 =	sne.s32 s2, $0x0  }
0x141: {  	s3 =	rddreg [dreg:$0x2];
	[bflag:$0x3] =	sbarrier.arrive $0xFFFF;
	s2 =	simm.s32 @!p0 $0x1C08  }
0x142: {  	[timem:s3], [sflag:s2] =	dma.local @!p0 [hbm:s0], s1  }
0x143: {  	s0 =	simm.s32 @!p0 $0x8  }
0x144: {  	_ =	swait.ge @!p0 [sflag:s0], s1  }
0x145: {  	s1 =	ssub.s32 @!p0 $0x0, s1;
	[sflag:s0] =	ssyncset.done @!p0 $0x0  }
0x146: {  	[sflag:s0] =	ssyncadd.s32 @!p0 s1  }
0x147: {  	[bflag:$0x3] =	sbarrier.arrive $0xFFFF  }
0x148: {  	_ =	shalt  }

</sc_bundles>
